<compile_context>
chip_gen: v7x
topology: tpu7x:2x2x1
jax: 0.10.2.dev20260603
libtpu: 0.0.44.dev20260713+nightly
codegen_flags: <defaults>
</compile_context>

<pallas_src>
import functools

import jax
import jax.numpy as jnp
from jax import lax
from jax.experimental import pallas as pl
from jax.experimental.pallas import tpu as pltpu
from jax.experimental.pallas import tpu_sc as plsc

_N_COLS = 26
_VOCAB = 1000
_D = 64
_GROUP = 104
_LANES = 16
_RING = 4
_AHEAD = 3


@functools.lru_cache(maxsize=None)
def _make_kernel(n_rows: int):
    info = plsc.get_sparse_core_info()
    nw = info.num_cores * info.num_subcores
    rows_per_w = n_rows // nw
    assert rows_per_w * nw == n_rows
    n_groups = rows_per_w // _GROUP
    assert n_groups * _GROUP == rows_per_w
    assert n_groups % _RING == 0
    assert rows_per_w % _N_COLS == 0

    mesh = plsc.VectorSubcoreMesh(core_axis_name="c", subcore_axis_name="s")
    nc = info.num_cores

    @functools.partial(
        pl.kernel,
        out_type=jax.ShapeDtypeStruct((n_rows, _D), jnp.float32),
        mesh=mesh,
        compiler_params=pltpu.CompilerParams(use_tc_tiling_on_sc=False),
        scratch_types=[
            pltpu.VMEM((_RING, _GROUP), jnp.int32),
            pltpu.VMEM_SHARED((_N_COLS * _VOCAB, _D), jnp.float32),
            tuple(pltpu.VMEM((_GROUP, _D), jnp.float32) for _ in range(_RING)),
            tuple(pltpu.SemaphoreType.DMA for _ in range(_RING)),
            tuple(pltpu.SemaphoreType.DMA for _ in range(_RING)),
            tuple(pltpu.SemaphoreType.DMA for _ in range(_RING)),
            pltpu.SemaphoreType.DMA,
        ],
    )
    def gather_kernel(
        idx_hbm, table_hbm, out_hbm, idx_v, tab_sp, bufs, gsems, ssems,
        isems, tsem,
    ):
        wid = lax.axis_index("s") * nc + lax.axis_index("c")
        row_base = wid * rows_per_w

        sid = lax.axis_index("s")
        tab_rows = _N_COLS * _VOCAB // 16
        tab_sl = pl.ds(sid * tab_rows, tab_rows)
        pltpu.async_copy(table_hbm.at[tab_sl], tab_sp.at[tab_sl], tsem)

        lanes = lax.broadcasted_iota(jnp.int32, (_LANES,), 0)
        offs = [
            lax.rem(lanes + i * _LANES, _N_COLS) * _VOCAB for i in range(6)
        ]
        off_tail = jnp.where(
            lanes < 8, 0, lax.rem(lanes + 88, _N_COLS) * _VOCAB
        )

        def start_idx(g, s):
            pltpu.async_copy(
                idx_hbm.at[pl.ds(row_base + g * _GROUP, _GROUP)],
                idx_v.at[s, pl.ds(0, _GROUP)],
                isems[s],
            )

        def wait_idx(g, s):
            pltpu.make_async_copy(
                idx_hbm.at[pl.ds(row_base + g * _GROUP, _GROUP)],
                idx_v.at[s, pl.ds(0, _GROUP)],
                isems[s],
            ).wait()

        def add_offsets(s):
            for i in range(6):
                sl = pl.ds(i * _LANES, _LANES)
                idx_v[s, sl] = idx_v[s, sl] + offs[i]
            sl = pl.ds(88, _LANES)
            idx_v[s, sl] = idx_v[s, sl] + off_tail

        def start_gather(g, s, b):
            pltpu.async_copy(
                tab_sp.at[idx_v.at[s, pl.ds(0, _GROUP)]], bufs[b], gsems[b]
            )

        def wait_gather(g, s, b):
            pltpu.make_async_copy(
                tab_sp.at[idx_v.at[s, pl.ds(0, _GROUP)]], bufs[b], gsems[b]
            ).wait()

        def out_slice(g):
            return out_hbm.at[pl.ds(row_base + g * _GROUP, _GROUP)]

        def start_store(g, b):
            pltpu.async_copy(bufs[b], out_slice(g), ssems[b])

        def wait_store(g, b):
            pltpu.make_async_copy(bufs[b], out_slice(g), ssems[b]).wait()

        for g in range(_RING):
            start_idx(g, g)
        pltpu.make_async_copy(
            table_hbm.at[tab_sl], tab_sp.at[tab_sl], tsem
        ).wait()
        plsc.subcore_barrier()
        for g in range(_AHEAD):
            wait_idx(g, g)
            add_offsets(g)
            start_gather(g, g, g)

        def pipe_body(p, _):
            for b in range(_RING):
                g = p * _RING + b
                wait_gather(g, b, b)
                start_store(g, b)

                i2 = g + _RING

                @pl.when(i2 < n_groups)
                def _():
                    start_idx(i2, b)

                h = g + _AHEAD

                @pl.when(h < n_groups)
                def _():
                    hs = (b + _AHEAD) % _RING
                    hb = (b + _AHEAD) % _RING

                    @pl.when(h >= _RING)
                    def _():
                        wait_store(h - _RING, hb)

                    wait_idx(h, hs)
                    add_offsets(hs)
                    start_gather(h, hs, hb)

            return 0

        lax.fori_loop(0, n_groups // _RING, pipe_body, 0)

        for b in range(_RING):
            g = n_groups - _RING + b
            wait_store(g, b)

    return gather_kernel


def kernel(inputs, tables):
    b, l, c = inputs.shape
    n_rows = b * l * c
    idx_flat = inputs.astype(jnp.int32).reshape(n_rows)
    flat_tables = tables.reshape(c * tables.shape[1], tables.shape[2])
    out = _make_kernel(n_rows)(idx_flat, flat_tables)
    return out.reshape(b, l, c * _D)

# --- scband reference (transcript-rebuilt; emitter-appended) ---
"""Pipeline reference for scband-multi-col-embedding-5609227289058 (READ-ONLY COPY).

The authoritative reference and input builder live on the scoring server;
editing this copy changes nothing except your own understanding.
"""

import jax, jax.numpy as jnp
import numpy as np

N_COLS = 26
VOCAB = 1000
EMBED_DIM = 64
BATCH = 1024
SEQ_LEN = 20


def setup_inputs(seed: int = 0) -> dict:
    key = jax.random.key(seed)
    k_idx, k_tab = jax.random.split(key)
    inputs = jax.random.randint(k_idx, (BATCH, SEQ_LEN, N_COLS), 0, VOCAB, dtype=jnp.int32)
    # One embedding table per column; all same shape so stack into [N_COLS, VOCAB, EMBED_DIM]
    tables = jax.random.normal(k_tab, (N_COLS, VOCAB, EMBED_DIM), dtype=jnp.float32) * 0.05
    return {"inputs": inputs, "tables": tables}


def reference(inputs, tables):
    # MultiColEmbedding.call: cast to int, per-column embedding lookup, concat along last axis
    idx = inputs.astype(jnp.int32)
    embeddings = []
    for i in range(tables.shape[0]):
        sub_inp = idx[:, :, i]                      # [B, L]
        embeddings.append(jnp.take(tables[i], sub_inp, axis=0))  # [B, L, D]
    outputs = jnp.concatenate(embeddings, axis=2)   # [B, L, N_COLS * D]
    return outputs

if __name__ == "__main__":
    import jax
    _d = setup_inputs()
    print(jax.jit(kernel)(*tuple(_d.values())))

</pallas_src>

<mosaic_0001>
#map = affine_map<(d0, d1) -> (0)>
#map1 = affine_map<(d0, d1) -> (0, 0)>
module attributes {stable_mosaic.version = 14 : i64} {
  func.func @gather_kernel(%arg0: i32, %arg1: i32, %arg2: memref<532480xi32, #tpu.memory_space<hbm>>, %arg3: memref<26000x64xf32, #tpu.memory_space<hbm>>, %arg4: memref<532480x64xf32, #tpu.memory_space<hbm>>, %arg5: memref<4x104xi32, #tpu.memory_space<vmem>>, %arg6: memref<26000x64xf32, #tpu.memory_space<vmem_shared>>, %arg7: memref<104x64xf32, #tpu.memory_space<vmem>>, %arg8: memref<104x64xf32, #tpu.memory_space<vmem>>, %arg9: memref<104x64xf32, #tpu.memory_space<vmem>>, %arg10: memref<104x64xf32, #tpu.memory_space<vmem>>, %arg11: memref<!tpu.dma_semaphore, #tpu.memory_space<semaphore_mem>>, %arg12: memref<!tpu.dma_semaphore, #tpu.memory_space<semaphore_mem>>, %arg13: memref<!tpu.dma_semaphore, #tpu.memory_space<semaphore_mem>>, %arg14: memref<!tpu.dma_semaphore, #tpu.memory_space<semaphore_mem>>, %arg15: memref<!tpu.dma_semaphore, #tpu.memory_space<semaphore_mem>>, %arg16: memref<!tpu.dma_semaphore, #tpu.memory_space<semaphore_mem>>, %arg17: memref<!tpu.dma_semaphore, #tpu.memory_space<semaphore_mem>>, %arg18: memref<!tpu.dma_semaphore, #tpu.memory_space<semaphore_mem>>, %arg19: memref<!tpu.dma_semaphore, #tpu.memory_space<semaphore_mem>>, %arg20: memref<!tpu.dma_semaphore, #tpu.memory_space<semaphore_mem>>, %arg21: memref<!tpu.dma_semaphore, #tpu.memory_space<semaphore_mem>>, %arg22: memref<!tpu.dma_semaphore, #tpu.memory_space<semaphore_mem>>, %arg23: memref<!tpu.dma_semaphore, #tpu.memory_space<semaphore_mem>>) attributes {dimension_semantics = [#tpu.dimension_semantics<core_parallel>, #tpu.dimension_semantics<subcore_parallel>], iteration_bounds = array<i64: 2, 16>, scalar_prefetch = 0 : i64, scratch_operands = 19 : i64, tpu.core_type = #tpu.core_type<sc_vector_subcore>, window_params = [{transform_indices = #map}, {transform_indices = #map1}, {transform_indices = #map1}]} {
    %mul3A = arith.constant 2 : i32
    %mul3A_0 = arith.muli %arg1, %mul3A : i32
    %add3A = arith.addi %mul3A_0, %arg0 : i32
    %mul3A_1 = arith.constant 16640 : i32
    %mul3A_2 = arith.muli %add3A, %mul3A_1 : i32
    %mul3A_3 = arith.constant 1625 : i32
    %mul3A_4 = arith.muli %arg1, %mul3A_3 : i32
    %dma_start3A = arith.constant 0 : i32
    %dma_start3A_5 = tpu.memref_slice %arg6[%mul3A_4, %dma_start3A] : memref<26000x64xf32, #tpu.memory_space<vmem_shared>> -> memref<1625x64xf32, #tpu.memory_space<vmem_shared>>
    %dma_start3A_6 = arith.constant 0 : i32
    %dma_start3A_7 = tpu.memref_slice %arg3[%mul3A_4, %dma_start3A_6] : memref<26000x64xf32, #tpu.memory_space<hbm>> -> memref<1625x64xf32, #tpu.memory_space<hbm>>
    tpu.enqueue_dma source(%dma_start3A_7 : memref<1625x64xf32, #tpu.memory_space<hbm>>) target(%dma_start3A_5 : memref<1625x64xf32, #tpu.memory_space<vmem_shared>>) target_semaphore(%arg23 : memref<!tpu.dma_semaphore, #tpu.memory_space<semaphore_mem>>)
    %iota3A = tpu.iota {dimensions = array<i32: 0>} : vector<16xi32>
    %add3A_8 = arith.constant 0 : i32
    %add3A_9 = vector.broadcast %add3A_8 : i32 to vector<16xi32>
    %add3A_10 = arith.addi %iota3A, %add3A_9 : vector<16xi32>
    %rem3A = arith.constant 26 : i32
    %rem3A_11 = vector.broadcast %rem3A : i32 to vector<16xi32>
    %rem3A_12 = arith.remsi %add3A_10, %rem3A_11 : vector<16xi32>
    %mul3A_13 = arith.constant 1000 : i32
    %mul3A_14 = vector.broadcast %mul3A_13 : i32 to vector<16xi32>
    %mul3A_15 = arith.muli %rem3A_12, %mul3A_14 : vector<16xi32>
    %add3A_16 = arith.constant 16 : i32
    %add3A_17 = vector.broadcast %add3A_16 : i32 to vector<16xi32>
    %add3A_18 = arith.addi %iota3A, %add3A_17 : vector<16xi32>
    %rem3A_19 = arith.constant 26 : i32
    %rem3A_20 = vector.broadcast %rem3A_19 : i32 to vector<16xi32>
    %rem3A_21 = arith.remsi %add3A_18, %rem3A_20 : vector<16xi32>
    %mul3A_22 = arith.constant 1000 : i32
    %mul3A_23 = vector.broadcast %mul3A_22 : i32 to vector<16xi32>
    %mul3A_24 = arith.muli %rem3A_21, %mul3A_23 : vector<16xi32>
    %add3A_25 = arith.constant 32 : i32
    %add3A_26 = vector.broadcast %add3A_25 : i32 to vector<16xi32>
    %add3A_27 = arith.addi %iota3A, %add3A_26 : vector<16xi32>
    %rem3A_28 = arith.constant 26 : i32
    %rem3A_29 = vector.broadcast %rem3A_28 : i32 to vector<16xi32>
    %rem3A_30 = arith.remsi %add3A_27, %rem3A_29 : vector<16xi32>
    %mul3A_31 = arith.constant 1000 : i32
    %mul3A_32 = vector.broadcast %mul3A_31 : i32 to vector<16xi32>
    %mul3A_33 = arith.muli %rem3A_30, %mul3A_32 : vector<16xi32>
    %add3A_34 = arith.constant 48 : i32
    %add3A_35 = vector.broadcast %add3A_34 : i32 to vector<16xi32>
    %add3A_36 = arith.addi %iota3A, %add3A_35 : vector<16xi32>
    %rem3A_37 = arith.constant 26 : i32
    %rem3A_38 = vector.broadcast %rem3A_37 : i32 to vector<16xi32>
    %rem3A_39 = arith.remsi %add3A_36, %rem3A_38 : vector<16xi32>
    %mul3A_40 = arith.constant 1000 : i32
    %mul3A_41 = vector.broadcast %mul3A_40 : i32 to vector<16xi32>
    %mul3A_42 = arith.muli %rem3A_39, %mul3A_41 : vector<16xi32>
    %add3A_43 = arith.constant 64 : i32
    %add3A_44 = vector.broadcast %add3A_43 : i32 to vector<16xi32>
    %add3A_45 = arith.addi %iota3A, %add3A_44 : vector<16xi32>
    %rem3A_46 = arith.constant 26 : i32
    %rem3A_47 = vector.broadcast %rem3A_46 : i32 to vector<16xi32>
    %rem3A_48 = arith.remsi %add3A_45, %rem3A_47 : vector<16xi32>
    %mul3A_49 = arith.constant 1000 : i32
    %mul3A_50 = vector.broadcast %mul3A_49 : i32 to vector<16xi32>
    %mul3A_51 = arith.muli %rem3A_48, %mul3A_50 : vector<16xi32>
    %add3A_52 = arith.constant 80 : i32
    %add3A_53 = vector.broadcast %add3A_52 : i32 to vector<16xi32>
    %add3A_54 = arith.addi %iota3A, %add3A_53 : vector<16xi32>
    %rem3A_55 = arith.constant 26 : i32
    %rem3A_56 = vector.broadcast %rem3A_55 : i32 to vector<16xi32>
    %rem3A_57 = arith.remsi %add3A_54, %rem3A_56 : vector<16xi32>
    %mul3A_58 = arith.constant 1000 : i32
    %mul3A_59 = vector.broadcast %mul3A_58 : i32 to vector<16xi32>
    %mul3A_60 = arith.muli %rem3A_57, %mul3A_59 : vector<16xi32>
    %lt3A = arith.constant 8 : i32
    %lt3A_61 = vector.broadcast %lt3A : i32 to vector<16xi32>
    %lt3A_62 = arith.cmpi slt, %iota3A, %lt3A_61 : vector<16xi32>
    %add3A_63 = arith.constant 88 : i32
    %add3A_64 = vector.broadcast %add3A_63 : i32 to vector<16xi32>
    %add3A_65 = arith.addi %iota3A, %add3A_64 : vector<16xi32>
    %rem3A_66 = arith.constant 26 : i32
    %rem3A_67 = vector.broadcast %rem3A_66 : i32 to vector<16xi32>
    %rem3A_68 = arith.remsi %add3A_65, %rem3A_67 : vector<16xi32>
    %mul3A_69 = arith.constant 1000 : i32
    %mul3A_70 = vector.broadcast %mul3A_69 : i32 to vector<16xi32>
    %mul3A_71 = arith.muli %rem3A_68, %mul3A_70 : vector<16xi32>
    %jit3A = arith.constant 0 : i32
    %broadcast_in_dim3A = vector.broadcast %jit3A : i32 to vector<16xi32>
    %select_n3A = arith.select %lt3A_62, %broadcast_in_dim3A, %mul3A_71 : vector<16xi1>, vector<16xi32>
    %add3A_72 = arith.constant 0 : i32
    %add3A_73 = arith.addi %mul3A_2, %add3A_72 : i32
    %dma_start3A_74 = arith.constant 0 : i32
    %dma_start3A_75 = arith.constant 0 : i32
    %dma_start3A_76 = tpu.memref_slice %arg5[%dma_start3A_74, %dma_start3A_75] : memref<4x104xi32, #tpu.memory_space<vmem>> -> memref<1x104xi32, #tpu.memory_space<vmem>>
    %dma_start3A_77 = tpu.memref_squeeze %dma_start3A_76 : memref<1x104xi32, #tpu.memory_space<vmem>> -> memref<104xi32, #tpu.memory_space<vmem>>
    %dma_start3A_78 = tpu.memref_slice %arg2[%add3A_73] : memref<532480xi32, #tpu.memory_space<hbm>> -> memref<104xi32, #tpu.memory_space<hbm>>
    %dma_start3A_79 = arith.constant 0 : i32
    %dma_start3A_80 = tpu.memref_slice %arg5[%dma_start3A_74, %dma_start3A_79] : memref<4x104xi32, #tpu.memory_space<vmem>> -> memref<1x104xi32, #tpu.memory_space<vmem>>
    %dma_start3A_81 = tpu.memref_squeeze %dma_start3A_80 : memref<1x104xi32, #tpu.memory_space<vmem>> -> memref<104xi32, #tpu.memory_space<vmem>>
    %dma_start3A_82 = tpu.memref_slice %arg2[%add3A_73] : memref<532480xi32, #tpu.memory_space<hbm>> -> memref<104xi32, #tpu.memory_space<hbm>>
    tpu.enqueue_dma source(%dma_start3A_82 : memref<104xi32, #tpu.memory_space<hbm>>) target(%dma_start3A_81 : memref<104xi32, #tpu.memory_space<vmem>>) target_semaphore(%arg19 : memref<!tpu.dma_semaphore, #tpu.memory_space<semaphore_mem>>)
    %add3A_83 = arith.constant 104 : i32
    %add3A_84 = arith.addi %mul3A_2, %add3A_83 : i32
    %dma_start3A_85 = arith.constant 1 : i32
    %dma_start3A_86 = arith.constant 0 : i32
    %dma_start3A_87 = tpu.memref_slice %arg5[%dma_start3A_85, %dma_start3A_86] : memref<4x104xi32, #tpu.memory_space<vmem>> -> memref<1x104xi32, #tpu.memory_space<vmem>>
    %dma_start3A_88 = tpu.memref_squeeze %dma_start3A_87 : memref<1x104xi32, #tpu.memory_space<vmem>> -> memref<104xi32, #tpu.memory_space<vmem>>
    %dma_start3A_89 = tpu.memref_slice %arg2[%add3A_84] : memref<532480xi32, #tpu.memory_space<hbm>> -> memref<104xi32, #tpu.memory_space<hbm>>
    %dma_start3A_90 = arith.constant 0 : i32
    %dma_start3A_91 = tpu.memref_slice %arg5[%dma_start3A_85, %dma_start3A_90] : memref<4x104xi32, #tpu.memory_space<vmem>> -> memref<1x104xi32, #tpu.memory_space<vmem>>
    %dma_start3A_92 = tpu.memref_squeeze %dma_start3A_91 : memref<1x104xi32, #tpu.memory_space<vmem>> -> memref<104xi32, #tpu.memory_space<vmem>>
    %dma_start3A_93 = tpu.memref_slice %arg2[%add3A_84] : memref<532480xi32, #tpu.memory_space<hbm>> -> memref<104xi32, #tpu.memory_space<hbm>>
    tpu.enqueue_dma source(%dma_start3A_93 : memref<104xi32, #tpu.memory_space<hbm>>) target(%dma_start3A_92 : memref<104xi32, #tpu.memory_space<vmem>>) target_semaphore(%arg20 : memref<!tpu.dma_semaphore, #tpu.memory_space<semaphore_mem>>)
    %add3A_94 = arith.constant 208 : i32
    %add3A_95 = arith.addi %mul3A_2, %add3A_94 : i32
    %dma_start3A_96 = arith.constant 2 : i32
    %dma_start3A_97 = arith.constant 0 : i32
    %dma_start3A_98 = tpu.memref_slice %arg5[%dma_start3A_96, %dma_start3A_97] : memref<4x104xi32, #tpu.memory_space<vmem>> -> memref<1x104xi32, #tpu.memory_space<vmem>>
    %dma_start3A_99 = tpu.memref_squeeze %dma_start3A_98 : memref<1x104xi32, #tpu.memory_space<vmem>> -> memref<104xi32, #tpu.memory_space<vmem>>
    %dma_start3A_100 = tpu.memref_slice %arg2[%add3A_95] : memref<532480xi32, #tpu.memory_space<hbm>> -> memref<104xi32, #tpu.memory_space<hbm>>
    %dma_start3A_101 = arith.constant 0 : i32
    %dma_start3A_102 = tpu.memref_slice %arg5[%dma_start3A_96, %dma_start3A_101] : memref<4x104xi32, #tpu.memory_space<vmem>> -> memref<1x104xi32, #tpu.memory_space<vmem>>
    %dma_start3A_103 = tpu.memref_squeeze %dma_start3A_102 : memref<1x104xi32, #tpu.memory_space<vmem>> -> memref<104xi32, #tpu.memory_space<vmem>>
    %dma_start3A_104 = tpu.memref_slice %arg2[%add3A_95] : memref<532480xi32, #tpu.memory_space<hbm>> -> memref<104xi32, #tpu.memory_space<hbm>>
    tpu.enqueue_dma source(%dma_start3A_104 : memref<104xi32, #tpu.memory_space<hbm>>) target(%dma_start3A_103 : memref<104xi32, #tpu.memory_space<vmem>>) target_semaphore(%arg21 : memref<!tpu.dma_semaphore, #tpu.memory_space<semaphore_mem>>)
    %add3A_105 = arith.constant 312 : i32
    %add3A_106 = arith.addi %mul3A_2, %add3A_105 : i32
    %dma_start3A_107 = arith.constant 3 : i32
    %dma_start3A_108 = arith.constant 0 : i32
    %dma_start3A_109 = tpu.memref_slice %arg5[%dma_start3A_107, %dma_start3A_108] : memref<4x104xi32, #tpu.memory_space<vmem>> -> memref<1x104xi32, #tpu.memory_space<vmem>>
    %dma_start3A_110 = tpu.memref_squeeze %dma_start3A_109 : memref<1x104xi32, #tpu.memory_space<vmem>> -> memref<104xi32, #tpu.memory_space<vmem>>
    %dma_start3A_111 = tpu.memref_slice %arg2[%add3A_106] : memref<532480xi32, #tpu.memory_space<hbm>> -> memref<104xi32, #tpu.memory_space<hbm>>
    %dma_start3A_112 = arith.constant 0 : i32
    %dma_start3A_113 = tpu.memref_slice %arg5[%dma_start3A_107, %dma_start3A_112] : memref<4x104xi32, #tpu.memory_space<vmem>> -> memref<1x104xi32, #tpu.memory_space<vmem>>
    %dma_start3A_114 = tpu.memref_squeeze %dma_start3A_113 : memref<1x104xi32, #tpu.memory_space<vmem>> -> memref<104xi32, #tpu.memory_space<vmem>>
    %dma_start3A_115 = tpu.memref_slice %arg2[%add3A_106] : memref<532480xi32, #tpu.memory_space<hbm>> -> memref<104xi32, #tpu.memory_space<hbm>>
    tpu.enqueue_dma source(%dma_start3A_115 : memref<104xi32, #tpu.memory_space<hbm>>) target(%dma_start3A_114 : memref<104xi32, #tpu.memory_space<vmem>>) target_semaphore(%arg22 : memref<!tpu.dma_semaphore, #tpu.memory_space<semaphore_mem>>)
    %dma_wait3A = arith.constant 0 : i32
    %dma_wait3A_116 = tpu.memref_slice %arg6[%mul3A_4, %dma_wait3A] : memref<26000x64xf32, #tpu.memory_space<vmem_shared>> -> memref<1625x64xf32, #tpu.memory_space<vmem_shared>>
    %dma_wait3A_117 = arith.constant 0 : i32
    %dma_wait3A_118 = tpu.memref_slice %arg3[%mul3A_4, %dma_wait3A_117] : memref<26000x64xf32, #tpu.memory_space<hbm>> -> memref<1625x64xf32, #tpu.memory_space<hbm>>
    tpu.wait_dma2 semaphore(%arg23 : memref<!tpu.dma_semaphore, #tpu.memory_space<semaphore_mem>>) src(%dma_wait3A_118 : memref<1625x64xf32, #tpu.memory_space<hbm>>) dst(%dma_wait3A_116 : memref<1625x64xf32, #tpu.memory_space<vmem_shared>>)
    %barrier3A = arith.constant 0 : index
    tpu.barrier barrier_id(%barrier3A)
    %add3A_119 = arith.constant 0 : i32
    %add3A_120 = arith.addi %mul3A_2, %add3A_119 : i32
    %dma_wait3A_121 = arith.constant 0 : i32
    %dma_wait3A_122 = arith.constant 0 : i32
    %dma_wait3A_123 = tpu.memref_slice %arg5[%dma_wait3A_121, %dma_wait3A_122] : memref<4x104xi32, #tpu.memory_space<vmem>> -> memref<1x104xi32, #tpu.memory_space<vmem>>
    %dma_wait3A_124 = tpu.memref_squeeze %dma_wait3A_123 : memref<1x104xi32, #tpu.memory_space<vmem>> -> memref<104xi32, #tpu.memory_space<vmem>>
    %dma_wait3A_125 = tpu.memref_slice %arg2[%add3A_120] : memref<532480xi32, #tpu.memory_space<hbm>> -> memref<104xi32, #tpu.memory_space<hbm>>
    %dma_wait3A_126 = arith.constant 0 : i32
    %dma_wait3A_127 = tpu.memref_slice %arg5[%dma_wait3A_121, %dma_wait3A_126] : memref<4x104xi32, #tpu.memory_space<vmem>> -> memref<1x104xi32, #tpu.memory_space<vmem>>
    %dma_wait3A_128 = tpu.memref_squeeze %dma_wait3A_127 : memref<1x104xi32, #tpu.memory_space<vmem>> -> memref<104xi32, #tpu.memory_space<vmem>>
    %dma_wait3A_129 = tpu.memref_slice %arg2[%add3A_120] : memref<532480xi32, #tpu.memory_space<hbm>> -> memref<104xi32, #tpu.memory_space<hbm>>
    tpu.wait_dma2 semaphore(%arg19 : memref<!tpu.dma_semaphore, #tpu.memory_space<semaphore_mem>>) src(%dma_wait3A_129 : memref<104xi32, #tpu.memory_space<hbm>>) dst(%dma_wait3A_128 : memref<104xi32, #tpu.memory_space<vmem>>)
    %get3A = arith.constant 0 : i32
    %get3A_130 = arith.index_cast %get3A : i32 to index
    %get3A_131 = arith.constant 0 : index
    %get3A_132 = tpu.vector_load %arg5[%get3A_130, %get3A_131] {strides = array<i32>} : memref<4x104xi32, #tpu.memory_space<vmem>>, vector<1x16xi32>,
    %get3A_133 = vector.shape_cast %get3A_132 : vector<1x16xi32> to vector<16xi32>
    %add3A_134 = arith.addi %get3A_133, %mul3A_15 : vector<16xi32>
    %swap3A = arith.constant 0 : i32
    %swap3A_135 = arith.index_cast %swap3A : i32 to index
    %swap3A_136 = arith.constant 0 : index
    %swap3A_137 = tpu.vector_load %arg5[%swap3A_135, %swap3A_136] {strides = array<i32>} : memref<4x104xi32, #tpu.memory_space<vmem>>, vector<1x16xi32>,
    %swap3A_138 = vector.shape_cast %swap3A_137 : vector<1x16xi32> to vector<16xi32>
    %swap3A_139 = vector.shape_cast %add3A_134 : vector<16xi32> to vector<1x16xi32>
    tpu.vector_store %arg5[%swap3A_135, %swap3A_136], %swap3A_139 {strides = array<i32>} : memref<4x104xi32, #tpu.memory_space<vmem>>, vector<1x16xi32>,
    %get3A_140 = arith.constant 0 : i32
    %get3A_141 = arith.index_cast %get3A_140 : i32 to index
    %get3A_142 = arith.constant 16 : index
    %get3A_143 = tpu.vector_load %arg5[%get3A_141, %get3A_142] {strides = array<i32>} : memref<4x104xi32, #tpu.memory_space<vmem>>, vector<1x16xi32>,
    %get3A_144 = vector.shape_cast %get3A_143 : vector<1x16xi32> to vector<16xi32>
    %add3A_145 = arith.addi %get3A_144, %mul3A_24 : vector<16xi32>
    %swap3A_146 = arith.constant 0 : i32
    %swap3A_147 = arith.index_cast %swap3A_146 : i32 to index
    %swap3A_148 = arith.constant 16 : index
    %swap3A_149 = tpu.vector_load %arg5[%swap3A_147, %swap3A_148] {strides = array<i32>} : memref<4x104xi32, #tpu.memory_space<vmem>>, vector<1x16xi32>,
    %swap3A_150 = vector.shape_cast %swap3A_149 : vector<1x16xi32> to vector<16xi32>
    %swap3A_151 = vector.shape_cast %add3A_145 : vector<16xi32> to vector<1x16xi32>
    tpu.vector_store %arg5[%swap3A_147, %swap3A_148], %swap3A_151 {strides = array<i32>} : memref<4x104xi32, #tpu.memory_space<vmem>>, vector<1x16xi32>,
    %get3A_152 = arith.constant 0 : i32
    %get3A_153 = arith.index_cast %get3A_152 : i32 to index
    %get3A_154 = arith.constant 32 : index
    %get3A_155 = tpu.vector_load %arg5[%get3A_153, %get3A_154] {strides = array<i32>} : memref<4x104xi32, #tpu.memory_space<vmem>>, vector<1x16xi32>,
    %get3A_156 = vector.shape_cast %get3A_155 : vector<1x16xi32> to vector<16xi32>
    %add3A_157 = arith.addi %get3A_156, %mul3A_33 : vector<16xi32>
    %swap3A_158 = arith.constant 0 : i32
    %swap3A_159 = arith.index_cast %swap3A_158 : i32 to index
    %swap3A_160 = arith.constant 32 : index
    %swap3A_161 = tpu.vector_load %arg5[%swap3A_159, %swap3A_160] {strides = array<i32>} : memref<4x104xi32, #tpu.memory_space<vmem>>, vector<1x16xi32>,
    %swap3A_162 = vector.shape_cast %swap3A_161 : vector<1x16xi32> to vector<16xi32>
    %swap3A_163 = vector.shape_cast %add3A_157 : vector<16xi32> to vector<1x16xi32>
    tpu.vector_store %arg5[%swap3A_159, %swap3A_160], %swap3A_163 {strides = array<i32>} : memref<4x104xi32, #tpu.memory_space<vmem>>, vector<1x16xi32>,
    %get3A_164 = arith.constant 0 : i32
    %get3A_165 = arith.index_cast %get3A_164 : i32 to index
    %get3A_166 = arith.constant 48 : index
    %get3A_167 = tpu.vector_load %arg5[%get3A_165, %get3A_166] {strides = array<i32>} : memref<4x104xi32, #tpu.memory_space<vmem>>, vector<1x16xi32>,
    %get3A_168 = vector.shape_cast %get3A_167 : vector<1x16xi32> to vector<16xi32>
    %add3A_169 = arith.addi %get3A_168, %mul3A_42 : vector<16xi32>
    %swap3A_170 = arith.constant 0 : i32
    %swap3A_171 = arith.index_cast %swap3A_170 : i32 to index
    %swap3A_172 = arith.constant 48 : index
    %swap3A_173 = tpu.vector_load %arg5[%swap3A_171, %swap3A_172] {strides = array<i32>} : memref<4x104xi32, #tpu.memory_space<vmem>>, vector<1x16xi32>,
    %swap3A_174 = vector.shape_cast %swap3A_173 : vector<1x16xi32> to vector<16xi32>
    %swap3A_175 = vector.shape_cast %add3A_169 : vector<16xi32> to vector<1x16xi32>
    tpu.vector_store %arg5[%swap3A_171, %swap3A_172], %swap3A_175 {strides = array<i32>} : memref<4x104xi32, #tpu.memory_space<vmem>>, vector<1x16xi32>,
    %get3A_176 = arith.constant 0 : i32
    %get3A_177 = arith.index_cast %get3A_176 : i32 to index
    %get3A_178 = arith.constant 64 : index
    %get3A_179 = tpu.vector_load %arg5[%get3A_177, %get3A_178] {strides = array<i32>} : memref<4x104xi32, #tpu.memory_space<vmem>>, vector<1x16xi32>,
    %get3A_180 = vector.shape_cast %get3A_179 : vector<1x16xi32> to vector<16xi32>
    %add3A_181 = arith.addi %get3A_180, %mul3A_51 : vector<16xi32>
    %swap3A_182 = arith.constant 0 : i32
    %swap3A_183 = arith.index_cast %swap3A_182 : i32 to index
    %swap3A_184 = arith.constant 64 : index
    %swap3A_185 = tpu.vector_load %arg5[%swap3A_183, %swap3A_184] {strides = array<i32>} : memref<4x104xi32, #tpu.memory_space<vmem>>, vector<1x16xi32>,
    %swap3A_186 = vector.shape_cast %swap3A_185 : vector<1x16xi32> to vector<16xi32>
    %swap3A_187 = vector.shape_cast %add3A_181 : vector<16xi32> to vector<1x16xi32>
    tpu.vector_store %arg5[%swap3A_183, %swap3A_184], %swap3A_187 {strides = array<i32>} : memref<4x104xi32, #tpu.memory_space<vmem>>, vector<1x16xi32>,
    %get3A_188 = arith.constant 0 : i32
    %get3A_189 = arith.index_cast %get3A_188 : i32 to index
    %get3A_190 = arith.constant 80 : index
    %get3A_191 = tpu.vector_load %arg5[%get3A_189, %get3A_190] {strides = array<i32>} : memref<4x104xi32, #tpu.memory_space<vmem>>, vector<1x16xi32>,
    %get3A_192 = vector.shape_cast %get3A_191 : vector<1x16xi32> to vector<16xi32>
    %add3A_193 = arith.addi %get3A_192, %mul3A_60 : vector<16xi32>
    %swap3A_194 = arith.constant 0 : i32
    %swap3A_195 = arith.index_cast %swap3A_194 : i32 to index
    %swap3A_196 = arith.constant 80 : index
    %swap3A_197 = tpu.vector_load %arg5[%swap3A_195, %swap3A_196] {strides = array<i32>} : memref<4x104xi32, #tpu.memory_space<vmem>>, vector<1x16xi32>,
    %swap3A_198 = vector.shape_cast %swap3A_197 : vector<1x16xi32> to vector<16xi32>
    %swap3A_199 = vector.shape_cast %add3A_193 : vector<16xi32> to vector<1x16xi32>
    tpu.vector_store %arg5[%swap3A_195, %swap3A_196], %swap3A_199 {strides = array<i32>} : memref<4x104xi32, #tpu.memory_space<vmem>>, vector<1x16xi32>,
    %get3A_200 = arith.constant 0 : i32
    %get3A_201 = arith.index_cast %get3A_200 : i32 to index
    %get3A_202 = arith.constant 88 : index
    %get3A_203 = tpu.vector_load %arg5[%get3A_201, %get3A_202] {strides = array<i32>} : memref<4x104xi32, #tpu.memory_space<vmem>>, vector<1x16xi32>,
    %get3A_204 = vector.shape_cast %get3A_203 : vector<1x16xi32> to vector<16xi32>
    %add3A_205 = arith.addi %get3A_204, %select_n3A : vector<16xi32>
    %swap3A_206 = arith.constant 0 : i32
    %swap3A_207 = arith.index_cast %swap3A_206 : i32 to index
    %swap3A_208 = arith.constant 88 : index
    %swap3A_209 = tpu.vector_load %arg5[%swap3A_207, %swap3A_208] {strides = array<i32>} : memref<4x104xi32, #tpu.memory_space<vmem>>, vector<1x16xi32>,
    %swap3A_210 = vector.shape_cast %swap3A_209 : vector<1x16xi32> to vector<16xi32>
    %swap3A_211 = vector.shape_cast %add3A_205 : vector<16xi32> to vector<1x16xi32>
    tpu.vector_store %arg5[%swap3A_207, %swap3A_208], %swap3A_211 {strides = array<i32>} : memref<4x104xi32, #tpu.memory_space<vmem>>, vector<1x16xi32>,
    %dma_start3A_212 = arith.constant 0 : i32
    %dma_start3A_213 = arith.constant 0 : i32
    %dma_start3A_214 = tpu.memref_slice %arg5[%dma_start3A_212, %dma_start3A_213] : memref<4x104xi32, #tpu.memory_space<vmem>> -> memref<1x104xi32, #tpu.memory_space<vmem>>
    %dma_start3A_215 = tpu.memref_squeeze %dma_start3A_214 : memref<1x104xi32, #tpu.memory_space<vmem>> -> memref<104xi32, #tpu.memory_space<vmem>>
    %dma_start3A_216 = arith.constant 0 : i32
    %dma_start3A_217 = arith.constant 0 : i32
    %dma_start3A_218 = tpu.memref_slice %arg6[%dma_start3A_216, %dma_start3A_217] : memref<26000x64xf32, #tpu.memory_space<vmem_shared>> -> memref<26000x64xf32, #tpu.memory_space<vmem_shared>>
    tpu.enqueue_indirect_dma source(%dma_start3A_218 : memref<26000x64xf32, #tpu.memory_space<vmem_shared>>) target(%arg7 : memref<104x64xf32, #tpu.memory_space<vmem>>) offsets(%dma_start3A_215 : memref<104xi32, #tpu.memory_space<vmem>>) semaphore(%arg11 : memref<!tpu.dma_semaphore, #tpu.memory_space<semaphore_mem>>)
    %add3A_219 = arith.constant 104 : i32
    %add3A_220 = arith.addi %mul3A_2, %add3A_219 : i32
    %dma_wait3A_221 = arith.constant 1 : i32
    %dma_wait3A_222 = arith.constant 0 : i32
    %dma_wait3A_223 = tpu.memref_slice %arg5[%dma_wait3A_221, %dma_wait3A_222] : memref<4x104xi32, #tpu.memory_space<vmem>> -> memref<1x104xi32, #tpu.memory_space<vmem>>
    %dma_wait3A_224 = tpu.memref_squeeze %dma_wait3A_223 : memref<1x104xi32, #tpu.memory_space<vmem>> -> memref<104xi32, #tpu.memory_space<vmem>>
    %dma_wait3A_225 = tpu.memref_slice %arg2[%add3A_220] : memref<532480xi32, #tpu.memory_space<hbm>> -> memref<104xi32, #tpu.memory_space<hbm>>
    %dma_wait3A_226 = arith.constant 0 : i32
    %dma_wait3A_227 = tpu.memref_slice %arg5[%dma_wait3A_221, %dma_wait3A_226] : memref<4x104xi32, #tpu.memory_space<vmem>> -> memref<1x104xi32, #tpu.memory_space<vmem>>
    %dma_wait3A_228 = tpu.memref_squeeze %dma_wait3A_227 : memref<1x104xi32, #tpu.memory_space<vmem>> -> memref<104xi32, #tpu.memory_space<vmem>>
    %dma_wait3A_229 = tpu.memref_slice %arg2[%add3A_220] : memref<532480xi32, #tpu.memory_space<hbm>> -> memref<104xi32, #tpu.memory_space<hbm>>
    tpu.wait_dma2 semaphore(%arg20 : memref<!tpu.dma_semaphore, #tpu.memory_space<semaphore_mem>>) src(%dma_wait3A_229 : memref<104xi32, #tpu.memory_space<hbm>>) dst(%dma_wait3A_228 : memref<104xi32, #tpu.memory_space<vmem>>)
    %get3A_230 = arith.constant 1 : i32
    %get3A_231 = arith.index_cast %get3A_230 : i32 to index
    %get3A_232 = arith.constant 0 : index
    %get3A_233 = tpu.vector_load %arg5[%get3A_231, %get3A_232] {strides = array<i32>} : memref<4x104xi32, #tpu.memory_space<vmem>>, vector<1x16xi32>,
    %get3A_234 = vector.shape_cast %get3A_233 : vector<1x16xi32> to vector<16xi32>
    %add3A_235 = arith.addi %get3A_234, %mul3A_15 : vector<16xi32>
    %swap3A_236 = arith.constant 1 : i32
    %swap3A_237 = arith.index_cast %swap3A_236 : i32 to index
    %swap3A_238 = arith.constant 0 : index
    %swap3A_239 = tpu.vector_load %arg5[%swap3A_237, %swap3A_238] {strides = array<i32>} : memref<4x104xi32, #tpu.memory_space<vmem>>, vector<1x16xi32>,
    %swap3A_240 = vector.shape_cast %swap3A_239 : vector<1x16xi32> to vector<16xi32>
    %swap3A_241 = vector.shape_cast %add3A_235 : vector<16xi32> to vector<1x16xi32>
    tpu.vector_store %arg5[%swap3A_237, %swap3A_238], %swap3A_241 {strides = array<i32>} : memref<4x104xi32, #tpu.memory_space<vmem>>, vector<1x16xi32>,
    %get3A_242 = arith.constant 1 : i32
    %get3A_243 = arith.index_cast %get3A_242 : i32 to index
    %get3A_244 = arith.constant 16 : index
    %get3A_245 = tpu.vector_load %arg5[%get3A_243, %get3A_244] {strides = array<i32>} : memref<4x104xi32, #tpu.memory_space<vmem>>, vector<1x16xi32>,
    %get3A_246 = vector.shape_cast %get3A_245 : vector<1x16xi32> to vector<16xi32>
    %add3A_247 = arith.addi %get3A_246, %mul3A_24 : vector<16xi32>
    %swap3A_248 = arith.constant 1 : i32
    %swap3A_249 = arith.index_cast %swap3A_248 : i32 to index
    %swap3A_250 = arith.constant 16 : index
    %swap3A_251 = tpu.vector_load %arg5[%swap3A_249, %swap3A_250] {strides = array<i32>} : memref<4x104xi32, #tpu.memory_space<vmem>>, vector<1x16xi32>,
    %swap3A_252 = vector.shape_cast %swap3A_251 : vector<1x16xi32> to vector<16xi32>
    %swap3A_253 = vector.shape_cast %add3A_247 : vector<16xi32> to vector<1x16xi32>
    tpu.vector_store %arg5[%swap3A_249, %swap3A_250], %swap3A_253 {strides = array<i32>} : memref<4x104xi32, #tpu.memory_space<vmem>>, vector<1x16xi32>,
    %get3A_254 = arith.constant 1 : i32
    %get3A_255 = arith.index_cast %get3A_254 : i32 to index
    %get3A_256 = arith.constant 32 : index
    %get3A_257 = tpu.vector_load %arg5[%get3A_255, %get3A_256] {strides = array<i32>} : memref<4x104xi32, #tpu.memory_space<vmem>>, vector<1x16xi32>,
    %get3A_258 = vector.shape_cast %get3A_257 : vector<1x16xi32> to vector<16xi32>
    %add3A_259 = arith.addi %get3A_258, %mul3A_33 : vector<16xi32>
    %swap3A_260 = arith.constant 1 : i32
    %swap3A_261 = arith.index_cast %swap3A_260 : i32 to index
    %swap3A_262 = arith.constant 32 : index
    %swap3A_263 = tpu.vector_load %arg5[%swap3A_261, %swap3A_262] {strides = array<i32>} : memref<4x104xi32, #tpu.memory_space<vmem>>, vector<1x16xi32>,
    %swap3A_264 = vector.shape_cast %swap3A_263 : vector<1x16xi32> to vector<16xi32>
    %swap3A_265 = vector.shape_cast %add3A_259 : vector<16xi32> to vector<1x16xi32>
    tpu.vector_store %arg5[%swap3A_261, %swap3A_262], %swap3A_265 {strides = array<i32>} : memref<4x104xi32, #tpu.memory_space<vmem>>, vector<1x16xi32>,
    %get3A_266 = arith.constant 1 : i32
    %get3A_267 = arith.index_cast %get3A_266 : i32 to index
    %get3A_268 = arith.constant 48 : index
    %get3A_269 = tpu.vector_load %arg5[%get3A_267, %get3A_268] {strides = array<i32>} : memref<4x104xi32, #tpu.memory_space<vmem>>, vector<1x16xi32>,
    %get3A_270 = vector.shape_cast %get3A_269 : vector<1x16xi32> to vector<16xi32>
    %add3A_271 = arith.addi %get3A_270, %mul3A_42 : vector<16xi32>
    %swap3A_272 = arith.constant 1 : i32
    %swap3A_273 = arith.index_cast %swap3A_272 : i32 to index
    %swap3A_274 = arith.constant 48 : index
    %swap3A_275 = tpu.vector_load %arg5[%swap3A_273, %swap3A_274] {strides = array<i32>} : memref<4x104xi32, #tpu.memory_space<vmem>>, vector<1x16xi32>,
    %swap3A_276 = vector.shape_cast %swap3A_275 : vector<1x16xi32> to vector<16xi32>
    %swap3A_277 = vector.shape_cast %add3A_271 : vector<16xi32> to vector<1x16xi32>
    tpu.vector_store %arg5[%swap3A_273, %swap3A_274], %swap3A_277 {strides = array<i32>} : memref<4x104xi32, #tpu.memory_space<vmem>>, vector<1x16xi32>,
    %get3A_278 = arith.constant 1 : i32
    %get3A_279 = arith.index_cast %get3A_278 : i32 to index
    %get3A_280 = arith.constant 64 : index
    %get3A_281 = tpu.vector_load %arg5[%get3A_279, %get3A_280] {strides = array<i32>} : memref<4x104xi32, #tpu.memory_space<vmem>>, vector<1x16xi32>,
    %get3A_282 = vector.shape_cast %get3A_281 : vector<1x16xi32> to vector<16xi32>
    %add3A_283 = arith.addi %get3A_282, %mul3A_51 : vector<16xi32>
    %swap3A_284 = arith.constant 1 : i32
    %swap3A_285 = arith.index_cast %swap3A_284 : i32 to index
    %swap3A_286 = arith.constant 64 : index
    %swap3A_287 = tpu.vector_load %arg5[%swap3A_285, %swap3A_286] {strides = array<i32>} : memref<4x104xi32, #tpu.memory_space<vmem>>, vector<1x16xi32>,
    %swap3A_288 = vector.shape_cast %swap3A_287 : vector<1x16xi32> to vector<16xi32>
    %swap3A_289 = vector.shape_cast %add3A_283 : vector<16xi32> to vector<1x16xi32>
    tpu.vector_store %arg5[%swap3A_285, %swap3A_286], %swap3A_289 {strides = array<i32>} : memref<4x104xi32, #tpu.memory_space<vmem>>, vector<1x16xi32>,
    %get3A_290 = arith.constant 1 : i32
    %get3A_291 = arith.index_cast %get3A_290 : i32 to index
    %get3A_292 = arith.constant 80 : index
    %get3A_293 = tpu.vector_load %arg5[%get3A_291, %get3A_292] {strides = array<i32>} : memref<4x104xi32, #tpu.memory_space<vmem>>, vector<1x16xi32>,
    %get3A_294 = vector.shape_cast %get3A_293 : vector<1x16xi32> to vector<16xi32>
    %add3A_295 = arith.addi %get3A_294, %mul3A_60 : vector<16xi32>
    %swap3A_296 = arith.constant 1 : i32
    %swap3A_297 = arith.index_cast %swap3A_296 : i32 to index
    %swap3A_298 = arith.constant 80 : index
    %swap3A_299 = tpu.vector_load %arg5[%swap3A_297, %swap3A_298] {strides = array<i32>} : memref<4x104xi32, #tpu.memory_space<vmem>>, vector<1x16xi32>,
    %swap3A_300 = vector.shape_cast %swap3A_299 : vector<1x16xi32> to vector<16xi32>
    %swap3A_301 = vector.shape_cast %add3A_295 : vector<16xi32> to vector<1x16xi32>
    tpu.vector_store %arg5[%swap3A_297, %swap3A_298], %swap3A_301 {strides = array<i32>} : memref<4x104xi32, #tpu.memory_space<vmem>>, vector<1x16xi32>,
    %get3A_302 = arith.constant 1 : i32
    %get3A_303 = arith.index_cast %get3A_302 : i32 to index
    %get3A_304 = arith.constant 88 : index
    %get3A_305 = tpu.vector_load %arg5[%get3A_303, %get3A_304] {strides = array<i32>} : memref<4x104xi32, #tpu.memory_space<vmem>>, vector<1x16xi32>,
    %get3A_306 = vector.shape_cast %get3A_305 : vector<1x16xi32> to vector<16xi32>
    %add3A_307 = arith.addi %get3A_306, %select_n3A : vector<16xi32>
    %swap3A_308 = arith.constant 1 : i32
    %swap3A_309 = arith.index_cast %swap3A_308 : i32 to index
    %swap3A_310 = arith.constant 88 : index
    %swap3A_311 = tpu.vector_load %arg5[%swap3A_309, %swap3A_310] {strides = array<i32>} : memref<4x104xi32, #tpu.memory_space<vmem>>, vector<1x16xi32>,
    %swap3A_312 = vector.shape_cast %swap3A_311 : vector<1x16xi32> to vector<16xi32>
    %swap3A_313 = vector.shape_cast %add3A_307 : vector<16xi32> to vector<1x16xi32>
    tpu.vector_store %arg5[%swap3A_309, %swap3A_310], %swap3A_313 {strides = array<i32>} : memref<4x104xi32, #tpu.memory_space<vmem>>, vector<1x16xi32>,
    %dma_start3A_314 = arith.constant 1 : i32
    %dma_start3A_315 = arith.constant 0 : i32
    %dma_start3A_316 = tpu.memref_slice %arg5[%dma_start3A_314, %dma_start3A_315] : memref<4x104xi32, #tpu.memory_space<vmem>> -> memref<1x104xi32, #tpu.memory_space<vmem>>
    %dma_start3A_317 = tpu.memref_squeeze %dma_start3A_316 : memref<1x104xi32, #tpu.memory_space<vmem>> -> memref<104xi32, #tpu.memory_space<vmem>>
    %dma_start3A_318 = arith.constant 0 : i32
    %dma_start3A_319 = arith.constant 0 : i32
    %dma_start3A_320 = tpu.memref_slice %arg6[%dma_start3A_318, %dma_start3A_319] : memref<26000x64xf32, #tpu.memory_space<vmem_shared>> -> memref<26000x64xf32, #tpu.memory_space<vmem_shared>>
    tpu.enqueue_indirect_dma source(%dma_start3A_320 : memref<26000x64xf32, #tpu.memory_space<vmem_shared>>) target(%arg8 : memref<104x64xf32, #tpu.memory_space<vmem>>) offsets(%dma_start3A_317 : memref<104xi32, #tpu.memory_space<vmem>>) semaphore(%arg12 : memref<!tpu.dma_semaphore, #tpu.memory_space<semaphore_mem>>)
    %add3A_321 = arith.constant 208 : i32
    %add3A_322 = arith.addi %mul3A_2, %add3A_321 : i32
    %dma_wait3A_323 = arith.constant 2 : i32
    %dma_wait3A_324 = arith.constant 0 : i32
    %dma_wait3A_325 = tpu.memref_slice %arg5[%dma_wait3A_323, %dma_wait3A_324] : memref<4x104xi32, #tpu.memory_space<vmem>> -> memref<1x104xi32, #tpu.memory_space<vmem>>
    %dma_wait3A_326 = tpu.memref_squeeze %dma_wait3A_325 : memref<1x104xi32, #tpu.memory_space<vmem>> -> memref<104xi32, #tpu.memory_space<vmem>>
    %dma_wait3A_327 = tpu.memref_slice %arg2[%add3A_322] : memref<532480xi32, #tpu.memory_space<hbm>> -> memref<104xi32, #tpu.memory_space<hbm>>
    %dma_wait3A_328 = arith.constant 0 : i32
    %dma_wait3A_329 = tpu.memref_slice %arg5[%dma_wait3A_323, %dma_wait3A_328] : memref<4x104xi32, #tpu.memory_space<vmem>> -> memref<1x104xi32, #tpu.memory_space<vmem>>
    %dma_wait3A_330 = tpu.memref_squeeze %dma_wait3A_329 : memref<1x104xi32, #tpu.memory_space<vmem>> -> memref<104xi32, #tpu.memory_space<vmem>>
    %dma_wait3A_331 = tpu.memref_slice %arg2[%add3A_322] : memref<532480xi32, #tpu.memory_space<hbm>> -> memref<104xi32, #tpu.memory_space<hbm>>
    tpu.wait_dma2 semaphore(%arg21 : memref<!tpu.dma_semaphore, #tpu.memory_space<semaphore_mem>>) src(%dma_wait3A_331 : memref<104xi32, #tpu.memory_space<hbm>>) dst(%dma_wait3A_330 : memref<104xi32, #tpu.memory_space<vmem>>)
    %get3A_332 = arith.constant 2 : i32
    %get3A_333 = arith.index_cast %get3A_332 : i32 to index
    %get3A_334 = arith.constant 0 : index
    %get3A_335 = tpu.vector_load %arg5[%get3A_333, %get3A_334] {strides = array<i32>} : memref<4x104xi32, #tpu.memory_space<vmem>>, vector<1x16xi32>,
    %get3A_336 = vector.shape_cast %get3A_335 : vector<1x16xi32> to vector<16xi32>
    %add3A_337 = arith.addi %get3A_336, %mul3A_15 : vector<16xi32>
    %swap3A_338 = arith.constant 2 : i32
    %swap3A_339 = arith.index_cast %swap3A_338 : i32 to index
    %swap3A_340 = arith.constant 0 : index
    %swap3A_341 = tpu.vector_load %arg5[%swap3A_339, %swap3A_340] {strides = array<i32>} : memref<4x104xi32, #tpu.memory_space<vmem>>, vector<1x16xi32>,
    %swap3A_342 = vector.shape_cast %swap3A_341 : vector<1x16xi32> to vector<16xi32>
    %swap3A_343 = vector.shape_cast %add3A_337 : vector<16xi32> to vector<1x16xi32>
    tpu.vector_store %arg5[%swap3A_339, %swap3A_340], %swap3A_343 {strides = array<i32>} : memref<4x104xi32, #tpu.memory_space<vmem>>, vector<1x16xi32>,
    %get3A_344 = arith.constant 2 : i32
    %get3A_345 = arith.index_cast %get3A_344 : i32 to index
    %get3A_346 = arith.constant 16 : index
    %get3A_347 = tpu.vector_load %arg5[%get3A_345, %get3A_346] {strides = array<i32>} : memref<4x104xi32, #tpu.memory_space<vmem>>, vector<1x16xi32>,
    %get3A_348 = vector.shape_cast %get3A_347 : vector<1x16xi32> to vector<16xi32>
    %add3A_349 = arith.addi %get3A_348, %mul3A_24 : vector<16xi32>
    %swap3A_350 = arith.constant 2 : i32
    %swap3A_351 = arith.index_cast %swap3A_350 : i32 to index
    %swap3A_352 = arith.constant 16 : index
    %swap3A_353 = tpu.vector_load %arg5[%swap3A_351, %swap3A_352] {strides = array<i32>} : memref<4x104xi32, #tpu.memory_space<vmem>>, vector<1x16xi32>,
    %swap3A_354 = vector.shape_cast %swap3A_353 : vector<1x16xi32> to vector<16xi32>
    %swap3A_355 = vector.shape_cast %add3A_349 : vector<16xi32> to vector<1x16xi32>
    tpu.vector_store %arg5[%swap3A_351, %swap3A_352], %swap3A_355 {strides = array<i32>} : memref<4x104xi32, #tpu.memory_space<vmem>>, vector<1x16xi32>,
    %get3A_356 = arith.constant 2 : i32
    %get3A_357 = arith.index_cast %get3A_356 : i32 to index
    %get3A_358 = arith.constant 32 : index
    %get3A_359 = tpu.vector_load %arg5[%get3A_357, %get3A_358] {strides = array<i32>} : memref<4x104xi32, #tpu.memory_space<vmem>>, vector<1x16xi32>,
    %get3A_360 = vector.shape_cast %get3A_359 : vector<1x16xi32> to vector<16xi32>
    %add3A_361 = arith.addi %get3A_360, %mul3A_33 : vector<16xi32>
    %swap3A_362 = arith.constant 2 : i32
    %swap3A_363 = arith.index_cast %swap3A_362 : i32 to index
    %swap3A_364 = arith.constant 32 : index
    %swap3A_365 = tpu.vector_load %arg5[%swap3A_363, %swap3A_364] {strides = array<i32>} : memref<4x104xi32, #tpu.memory_space<vmem>>, vector<1x16xi32>,
    %swap3A_366 = vector.shape_cast %swap3A_365 : vector<1x16xi32> to vector<16xi32>
    %swap3A_367 = vector.shape_cast %add3A_361 : vector<16xi32> to vector<1x16xi32>
    tpu.vector_store %arg5[%swap3A_363, %swap3A_364], %swap3A_367 {strides = array<i32>} : memref<4x104xi32, #tpu.memory_space<vmem>>, vector<1x16xi32>,
    %get3A_368 = arith.constant 2 : i32
    %get3A_369 = arith.index_cast %get3A_368 : i32 to index
    %get3A_370 = arith.constant 48 : index
    %get3A_371 = tpu.vector_load %arg5[%get3A_369, %get3A_370] {strides = array<i32>} : memref<4x104xi32, #tpu.memory_space<vmem>>, vector<1x16xi32>,
    %get3A_372 = vector.shape_cast %get3A_371 : vector<1x16xi32> to vector<16xi32>
    %add3A_373 = arith.addi %get3A_372, %mul3A_42 : vector<16xi32>
    %swap3A_374 = arith.constant 2 : i32
    %swap3A_375 = arith.index_cast %swap3A_374 : i32 to index
    %swap3A_376 = arith.constant 48 : index
    %swap3A_377 = tpu.vector_load %arg5[%swap3A_375, %swap3A_376] {strides = array<i32>} : memref<4x104xi32, #tpu.memory_space<vmem>>, vector<1x16xi32>,
    %swap3A_378 = vector.shape_cast %swap3A_377 : vector<1x16xi32> to vector<16xi32>
    %swap3A_379 = vector.shape_cast %add3A_373 : vector<16xi32> to vector<1x16xi32>
    tpu.vector_store %arg5[%swap3A_375, %swap3A_376], %swap3A_379 {strides = array<i32>} : memref<4x104xi32, #tpu.memory_space<vmem>>, vector<1x16xi32>,
    %get3A_380 = arith.constant 2 : i32
    %get3A_381 = arith.index_cast %get3A_380 : i32 to index
    %get3A_382 = arith.constant 64 : index
    %get3A_383 = tpu.vector_load %arg5[%get3A_381, %get3A_382] {strides = array<i32>} : memref<4x104xi32, #tpu.memory_space<vmem>>, vector<1x16xi32>,
    %get3A_384 = vector.shape_cast %get3A_383 : vector<1x16xi32> to vector<16xi32>
    %add3A_385 = arith.addi %get3A_384, %mul3A_51 : vector<16xi32>
    %swap3A_386 = arith.constant 2 : i32
    %swap3A_387 = arith.index_cast %swap3A_386 : i32 to index
    %swap3A_388 = arith.constant 64 : index
    %swap3A_389 = tpu.vector_load %arg5[%swap3A_387, %swap3A_388] {strides = array<i32>} : memref<4x104xi32, #tpu.memory_space<vmem>>, vector<1x16xi32>,
    %swap3A_390 = vector.shape_cast %swap3A_389 : vector<1x16xi32> to vector<16xi32>
    %swap3A_391 = vector.shape_cast %add3A_385 : vector<16xi32> to vector<1x16xi32>
    tpu.vector_store %arg5[%swap3A_387, %swap3A_388], %swap3A_391 {strides = array<i32>} : memref<4x104xi32, #tpu.memory_space<vmem>>, vector<1x16xi32>,
    %get3A_392 = arith.constant 2 : i32
    %get3A_393 = arith.index_cast %get3A_392 : i32 to index
    %get3A_394 = arith.constant 80 : index
    %get3A_395 = tpu.vector_load %arg5[%get3A_393, %get3A_394] {strides = array<i32>} : memref<4x104xi32, #tpu.memory_space<vmem>>, vector<1x16xi32>,
    %get3A_396 = vector.shape_cast %get3A_395 : vector<1x16xi32> to vector<16xi32>
    %add3A_397 = arith.addi %get3A_396, %mul3A_60 : vector<16xi32>
    %swap3A_398 = arith.constant 2 : i32
    %swap3A_399 = arith.index_cast %swap3A_398 : i32 to index
    %swap3A_400 = arith.constant 80 : index
    %swap3A_401 = tpu.vector_load %arg5[%swap3A_399, %swap3A_400] {strides = array<i32>} : memref<4x104xi32, #tpu.memory_space<vmem>>, vector<1x16xi32>,
    %swap3A_402 = vector.shape_cast %swap3A_401 : vector<1x16xi32> to vector<16xi32>
    %swap3A_403 = vector.shape_cast %add3A_397 : vector<16xi32> to vector<1x16xi32>
    tpu.vector_store %arg5[%swap3A_399, %swap3A_400], %swap3A_403 {strides = array<i32>} : memref<4x104xi32, #tpu.memory_space<vmem>>, vector<1x16xi32>,
    %get3A_404 = arith.constant 2 : i32
    %get3A_405 = arith.index_cast %get3A_404 : i32 to index
    %get3A_406 = arith.constant 88 : index
    %get3A_407 = tpu.vector_load %arg5[%get3A_405, %get3A_406] {strides = array<i32>} : memref<4x104xi32, #tpu.memory_space<vmem>>, vector<1x16xi32>,
    %get3A_408 = vector.shape_cast %get3A_407 : vector<1x16xi32> to vector<16xi32>
    %add3A_409 = arith.addi %get3A_408, %select_n3A : vector<16xi32>
    %swap3A_410 = arith.constant 2 : i32
    %swap3A_411 = arith.index_cast %swap3A_410 : i32 to index
    %swap3A_412 = arith.constant 88 : index
    %swap3A_413 = tpu.vector_load %arg5[%swap3A_411, %swap3A_412] {strides = array<i32>} : memref<4x104xi32, #tpu.memory_space<vmem>>, vector<1x16xi32>,
    %swap3A_414 = vector.shape_cast %swap3A_413 : vector<1x16xi32> to vector<16xi32>
    %swap3A_415 = vector.shape_cast %add3A_409 : vector<16xi32> to vector<1x16xi32>
    tpu.vector_store %arg5[%swap3A_411, %swap3A_412], %swap3A_415 {strides = array<i32>} : memref<4x104xi32, #tpu.memory_space<vmem>>, vector<1x16xi32>,
    %dma_start3A_416 = arith.constant 2 : i32
    %dma_start3A_417 = arith.constant 0 : i32
    %dma_start3A_418 = tpu.memref_slice %arg5[%dma_start3A_416, %dma_start3A_417] : memref<4x104xi32, #tpu.memory_space<vmem>> -> memref<1x104xi32, #tpu.memory_space<vmem>>
    %dma_start3A_419 = tpu.memref_squeeze %dma_start3A_418 : memref<1x104xi32, #tpu.memory_space<vmem>> -> memref<104xi32, #tpu.memory_space<vmem>>
    %dma_start3A_420 = arith.constant 0 : i32
    %dma_start3A_421 = arith.constant 0 : i32
    %dma_start3A_422 = tpu.memref_slice %arg6[%dma_start3A_420, %dma_start3A_421] : memref<26000x64xf32, #tpu.memory_space<vmem_shared>> -> memref<26000x64xf32, #tpu.memory_space<vmem_shared>>
    tpu.enqueue_indirect_dma source(%dma_start3A_422 : memref<26000x64xf32, #tpu.memory_space<vmem_shared>>) target(%arg9 : memref<104x64xf32, #tpu.memory_space<vmem>>) offsets(%dma_start3A_419 : memref<104xi32, #tpu.memory_space<vmem>>) semaphore(%arg13 : memref<!tpu.dma_semaphore, #tpu.memory_space<semaphore_mem>>)
    %scan3A = arith.constant 0 : i32
    %scan3A_423 = arith.constant 0 : i32
    %scan3A_424 = arith.constant 40 : i32
    %scan3A_425 = arith.addi %scan3A_423, %scan3A_424 : i32
    %scan3A_426 = arith.constant 1 : i32
    %scan3A_427 = scf.for %scan3A_453 = %scan3A_423 to %scan3A_425 step %scan3A_426 iter_args(%scan3A_454 = %scan3A) -> (i32)  : i32 {
      %mul3A_455 = arith.constant 4 : i32
      %mul3A_456 = arith.muli %scan3A_453, %mul3A_455 : i32
      %add3A_457 = arith.constant 0 : i32
      %add3A_458 = arith.addi %mul3A_456, %add3A_457 : i32
      %dma_wait3A_459 = arith.constant 0 : i32
      %dma_wait3A_460 = arith.constant 0 : i32
      %dma_wait3A_461 = tpu.memref_slice %arg5[%dma_wait3A_459, %dma_wait3A_460] : memref<4x104xi32, #tpu.memory_space<vmem>> -> memref<1x104xi32, #tpu.memory_space<vmem>>
      %dma_wait3A_462 = tpu.memref_squeeze %dma_wait3A_461 : memref<1x104xi32, #tpu.memory_space<vmem>> -> memref<104xi32, #tpu.memory_space<vmem>>
      %dma_wait3A_463 = arith.constant 0 : i32
      %dma_wait3A_464 = arith.constant 0 : i32
      %dma_wait3A_465 = tpu.memref_slice %arg6[%dma_wait3A_463, %dma_wait3A_464] : memref<26000x64xf32, #tpu.memory_space<vmem_shared>> -> memref<26000x64xf32, #tpu.memory_space<vmem_shared>>
      tpu.wait_indirect_dma semaphore(%arg11 : memref<!tpu.dma_semaphore, #tpu.memory_space<semaphore_mem>>) src(%dma_wait3A_465 : memref<26000x64xf32, #tpu.memory_space<vmem_shared>>) dst(%arg7 : memref<104x64xf32, #tpu.memory_space<vmem>>)
      %mul3A_466 = arith.constant 104 : i32
      %mul3A_467 = arith.muli %add3A_458, %mul3A_466 : i32
      %add3A_468 = arith.addi %mul3A_2, %mul3A_467 : i32
      %dma_start3A_469 = arith.constant 0 : i32
      %dma_start3A_470 = tpu.memref_slice %arg4[%add3A_468, %dma_start3A_469] : memref<532480x64xf32, #tpu.memory_space<hbm>> -> memref<104x64xf32, #tpu.memory_space<hbm>>
      %dma_start3A_471 = arith.constant 0 : i32
      %dma_start3A_472 = tpu.memref_slice %arg4[%add3A_468, %dma_start3A_471] : memref<532480x64xf32, #tpu.memory_space<hbm>> -> memref<104x64xf32, #tpu.memory_space<hbm>>
      tpu.enqueue_dma source(%arg7 : memref<104x64xf32, #tpu.memory_space<vmem>>) target(%dma_start3A_472 : memref<104x64xf32, #tpu.memory_space<hbm>>) target_semaphore(%arg15 : memref<!tpu.dma_semaphore, #tpu.memory_space<semaphore_mem>>)
      %add3A_473 = arith.constant 4 : i32
      %add3A_474 = arith.addi %add3A_458, %add3A_473 : i32
      %lt3A_475 = arith.constant 160 : i32
      %lt3A_476 = arith.cmpi slt, %add3A_474, %lt3A_475 : i32
      %convert_element_type3A = arith.extui %lt3A_476 : i1 to i32
      %cond3A = arith.constant 0 : i32
      %cond3A_477 = arith.cmpi ne, %convert_element_type3A, %cond3A : i32
      scf.if %cond3A_477 {
        %mul3A_582 = arith.constant 104 : i32
        %mul3A_583 = arith.muli %add3A_474, %mul3A_582 : i32
        %add3A_584 = arith.addi %mul3A_2, %mul3A_583 : i32
        %dma_start3A_585 = arith.constant 0 : i32
        %dma_start3A_586 = arith.constant 0 : i32
        %dma_start3A_587 = tpu.memref_slice %arg5[%dma_start3A_585, %dma_start3A_586] : memref<4x104xi32, #tpu.memory_space<vmem>> -> memref<1x104xi32, #tpu.memory_space<vmem>>
        %dma_start3A_588 = tpu.memref_squeeze %dma_start3A_587 : memref<1x104xi32, #tpu.memory_space<vmem>> -> memref<104xi32, #tpu.memory_space<vmem>>
        %dma_start3A_589 = tpu.memref_slice %arg2[%add3A_584] : memref<532480xi32, #tpu.memory_space<hbm>> -> memref<104xi32, #tpu.memory_space<hbm>>
        %dma_start3A_590 = arith.constant 0 : i32
        %dma_start3A_591 = tpu.memref_slice %arg5[%dma_start3A_585, %dma_start3A_590] : memref<4x104xi32, #tpu.memory_space<vmem>> -> memref<1x104xi32, #tpu.memory_space<vmem>>
        %dma_start3A_592 = tpu.memref_squeeze %dma_start3A_591 : memref<1x104xi32, #tpu.memory_space<vmem>> -> memref<104xi32, #tpu.memory_space<vmem>>
        %dma_start3A_593 = tpu.memref_slice %arg2[%add3A_584] : memref<532480xi32, #tpu.memory_space<hbm>> -> memref<104xi32, #tpu.memory_space<hbm>>
        tpu.enqueue_dma source(%dma_start3A_593 : memref<104xi32, #tpu.memory_space<hbm>>) target(%dma_start3A_592 : memref<104xi32, #tpu.memory_space<vmem>>) target_semaphore(%arg19 : memref<!tpu.dma_semaphore, #tpu.memory_space<semaphore_mem>>)
      } else {
      }
      %add3A_478 = arith.constant 3 : i32
      %add3A_479 = arith.addi %add3A_458, %add3A_478 : i32
      %lt3A_480 = arith.constant 160 : i32
      %lt3A_481 = arith.cmpi slt, %add3A_479, %lt3A_480 : i32
      %convert_element_type3A_482 = arith.extui %lt3A_481 : i1 to i32
      %cond3A_483 = arith.constant 0 : i32
      %cond3A_484 = arith.cmpi ne, %convert_element_type3A_482, %cond3A_483 : i32
      scf.if %cond3A_484 {
        %ge3A = arith.constant 4 : i32
        %ge3A_582 = arith.cmpi sge, %add3A_479, %ge3A : i32
        %convert_element_type3A_583 = arith.extui %ge3A_582 : i1 to i32
        %cond3A_584 = arith.constant 0 : i32
        %cond3A_585 = arith.cmpi ne, %convert_element_type3A_583, %cond3A_584 : i32
        scf.if %cond3A_585 {
          %sub3A = arith.constant 4 : i32
          %sub3A_689 = arith.subi %add3A_479, %sub3A : i32
          %mul3A_690 = arith.constant 104 : i32
          %mul3A_691 = arith.muli %sub3A_689, %mul3A_690 : i32
          %add3A_692 = arith.addi %mul3A_2, %mul3A_691 : i32
          %dma_wait3A_693 = arith.constant 0 : i32
          %dma_wait3A_694 = tpu.memref_slice %arg4[%add3A_692, %dma_wait3A_693] : memref<532480x64xf32, #tpu.memory_space<hbm>> -> memref<104x64xf32, #tpu.memory_space<hbm>>
          %dma_wait3A_695 = arith.constant 0 : i32
          %dma_wait3A_696 = tpu.memref_slice %arg4[%add3A_692, %dma_wait3A_695] : memref<532480x64xf32, #tpu.memory_space<hbm>> -> memref<104x64xf32, #tpu.memory_space<hbm>>
          tpu.wait_dma2 semaphore(%arg18 : memref<!tpu.dma_semaphore, #tpu.memory_space<semaphore_mem>>) src(%arg10 : memref<104x64xf32, #tpu.memory_space<vmem>>) dst(%dma_wait3A_696 : memref<104x64xf32, #tpu.memory_space<hbm>>)
        } else {
        }
        %mul3A_586 = arith.constant 104 : i32
        %mul3A_587 = arith.muli %add3A_479, %mul3A_586 : i32
        %add3A_588 = arith.addi %mul3A_2, %mul3A_587 : i32
        %dma_wait3A_589 = arith.constant 3 : i32
        %dma_wait3A_590 = arith.constant 0 : i32
        %dma_wait3A_591 = tpu.memref_slice %arg5[%dma_wait3A_589, %dma_wait3A_590] : memref<4x104xi32, #tpu.memory_space<vmem>> -> memref<1x104xi32, #tpu.memory_space<vmem>>
        %dma_wait3A_592 = tpu.memref_squeeze %dma_wait3A_591 : memref<1x104xi32, #tpu.memory_space<vmem>> -> memref<104xi32, #tpu.memory_space<vmem>>
        %dma_wait3A_593 = tpu.memref_slice %arg2[%add3A_588] : memref<532480xi32, #tpu.memory_space<hbm>> -> memref<104xi32, #tpu.memory_space<hbm>>
        %dma_wait3A_594 = arith.constant 0 : i32
        %dma_wait3A_595 = tpu.memref_slice %arg5[%dma_wait3A_589, %dma_wait3A_594] : memref<4x104xi32, #tpu.memory_space<vmem>> -> memref<1x104xi32, #tpu.memory_space<vmem>>
        %dma_wait3A_596 = tpu.memref_squeeze %dma_wait3A_595 : memref<1x104xi32, #tpu.memory_space<vmem>> -> memref<104xi32, #tpu.memory_space<vmem>>
        %dma_wait3A_597 = tpu.memref_slice %arg2[%add3A_588] : memref<532480xi32, #tpu.memory_space<hbm>> -> memref<104xi32, #tpu.memory_space<hbm>>
        tpu.wait_dma2 semaphore(%arg22 : memref<!tpu.dma_semaphore, #tpu.memory_space<semaphore_mem>>) src(%dma_wait3A_597 : memref<104xi32, #tpu.memory_space<hbm>>) dst(%dma_wait3A_596 : memref<104xi32, #tpu.memory_space<vmem>>)
        %get3A_598 = arith.constant 3 : i32
        %get3A_599 = arith.index_cast %get3A_598 : i32 to index
        %get3A_600 = arith.constant 0 : index
        %get3A_601 = tpu.vector_load %arg5[%get3A_599, %get3A_600] {strides = array<i32>} : memref<4x104xi32, #tpu.memory_space<vmem>>, vector<1x16xi32>,
        %get3A_602 = vector.shape_cast %get3A_601 : vector<1x16xi32> to vector<16xi32>
        %add3A_603 = arith.addi %get3A_602, %mul3A_15 : vector<16xi32>
        %swap3A_604 = arith.constant 3 : i32
        %swap3A_605 = arith.index_cast %swap3A_604 : i32 to index
        %swap3A_606 = arith.constant 0 : index
        %swap3A_607 = tpu.vector_load %arg5[%swap3A_605, %swap3A_606] {strides = array<i32>} : memref<4x104xi32, #tpu.memory_space<vmem>>, vector<1x16xi32>,
        %swap3A_608 = vector.shape_cast %swap3A_607 : vector<1x16xi32> to vector<16xi32>
        %swap3A_609 = vector.shape_cast %add3A_603 : vector<16xi32> to vector<1x16xi32>
        tpu.vector_store %arg5[%swap3A_605, %swap3A_606], %swap3A_609 {strides = array<i32>} : memref<4x104xi32, #tpu.memory_space<vmem>>, vector<1x16xi32>,
        %get3A_610 = arith.constant 3 : i32
        %get3A_611 = arith.index_cast %get3A_610 : i32 to index
        %get3A_612 = arith.constant 16 : index
        %get3A_613 = tpu.vector_load %arg5[%get3A_611, %get3A_612] {strides = array<i32>} : memref<4x104xi32, #tpu.memory_space<vmem>>, vector<1x16xi32>,
        %get3A_614 = vector.shape_cast %get3A_613 : vector<1x16xi32> to vector<16xi32>
        %add3A_615 = arith.addi %get3A_614, %mul3A_24 : vector<16xi32>
        %swap3A_616 = arith.constant 3 : i32
        %swap3A_617 = arith.index_cast %swap3A_616 : i32 to index
        %swap3A_618 = arith.constant 16 : index
        %swap3A_619 = tpu.vector_load %arg5[%swap3A_617, %swap3A_618] {strides = array<i32>} : memref<4x104xi32, #tpu.memory_space<vmem>>, vector<1x16xi32>,
        %swap3A_620 = vector.shape_cast %swap3A_619 : vector<1x16xi32> to vector<16xi32>
        %swap3A_621 = vector.shape_cast %add3A_615 : vector<16xi32> to vector<1x16xi32>
        tpu.vector_store %arg5[%swap3A_617, %swap3A_618], %swap3A_621 {strides = array<i32>} : memref<4x104xi32, #tpu.memory_space<vmem>>, vector<1x16xi32>,
        %get3A_622 = arith.constant 3 : i32
        %get3A_623 = arith.index_cast %get3A_622 : i32 to index
        %get3A_624 = arith.constant 32 : index
        %get3A_625 = tpu.vector_load %arg5[%get3A_623, %get3A_624] {strides = array<i32>} : memref<4x104xi32, #tpu.memory_space<vmem>>, vector<1x16xi32>,
        %get3A_626 = vector.shape_cast %get3A_625 : vector<1x16xi32> to vector<16xi32>
        %add3A_627 = arith.addi %get3A_626, %mul3A_33 : vector<16xi32>
        %swap3A_628 = arith.constant 3 : i32
        %swap3A_629 = arith.index_cast %swap3A_628 : i32 to index
        %swap3A_630 = arith.constant 32 : index
        %swap3A_631 = tpu.vector_load %arg5[%swap3A_629, %swap3A_630] {strides = array<i32>} : memref<4x104xi32, #tpu.memory_space<vmem>>, vector<1x16xi32>,
        %swap3A_632 = vector.shape_cast %swap3A_631 : vector<1x16xi32> to vector<16xi32>
        %swap3A_633 = vector.shape_cast %add3A_627 : vector<16xi32> to vector<1x16xi32>
        tpu.vector_store %arg5[%swap3A_629, %swap3A_630], %swap3A_633 {strides = array<i32>} : memref<4x104xi32, #tpu.memory_space<vmem>>, vector<1x16xi32>,
        %get3A_634 = arith.constant 3 : i32
        %get3A_635 = arith.index_cast %get3A_634 : i32 to index
        %get3A_636 = arith.constant 48 : index
        %get3A_637 = tpu.vector_load %arg5[%get3A_635, %get3A_636] {strides = array<i32>} : memref<4x104xi32, #tpu.memory_space<vmem>>, vector<1x16xi32>,
        %get3A_638 = vector.shape_cast %get3A_637 : vector<1x16xi32> to vector<16xi32>
        %add3A_639 = arith.addi %get3A_638, %mul3A_42 : vector<16xi32>
        %swap3A_640 = arith.constant 3 : i32
        %swap3A_641 = arith.index_cast %swap3A_640 : i32 to index
        %swap3A_642 = arith.constant 48 : index
        %swap3A_643 = tpu.vector_load %arg5[%swap3A_641, %swap3A_642] {strides = array<i32>} : memref<4x104xi32, #tpu.memory_space<vmem>>, vector<1x16xi32>,
        %swap3A_644 = vector.shape_cast %swap3A_643 : vector<1x16xi32> to vector<16xi32>
        %swap3A_645 = vector.shape_cast %add3A_639 : vector<16xi32> to vector<1x16xi32>
        tpu.vector_store %arg5[%swap3A_641, %swap3A_642], %swap3A_645 {strides = array<i32>} : memref<4x104xi32, #tpu.memory_space<vmem>>, vector<1x16xi32>,
        %get3A_646 = arith.constant 3 : i32
        %get3A_647 = arith.index_cast %get3A_646 : i32 to index
        %get3A_648 = arith.constant 64 : index
        %get3A_649 = tpu.vector_load %arg5[%get3A_647, %get3A_648] {strides = array<i32>} : memref<4x104xi32, #tpu.memory_space<vmem>>, vector<1x16xi32>,
        %get3A_650 = vector.shape_cast %get3A_649 : vector<1x16xi32> to vector<16xi32>
        %add3A_651 = arith.addi %get3A_650, %mul3A_51 : vector<16xi32>
        %swap3A_652 = arith.constant 3 : i32
        %swap3A_653 = arith.index_cast %swap3A_652 : i32 to index
        %swap3A_654 = arith.constant 64 : index
        %swap3A_655 = tpu.vector_load %arg5[%swap3A_653, %swap3A_654] {strides = array<i32>} : memref<4x104xi32, #tpu.memory_space<vmem>>, vector<1x16xi32>,
        %swap3A_656 = vector.shape_cast %swap3A_655 : vector<1x16xi32> to vector<16xi32>
        %swap3A_657 = vector.shape_cast %add3A_651 : vector<16xi32> to vector<1x16xi32>
        tpu.vector_store %arg5[%swap3A_653, %swap3A_654], %swap3A_657 {strides = array<i32>} : memref<4x104xi32, #tpu.memory_space<vmem>>, vector<1x16xi32>,
        %get3A_658 = arith.constant 3 : i32
        %get3A_659 = arith.index_cast %get3A_658 : i32 to index
        %get3A_660 = arith.constant 80 : index
        %get3A_661 = tpu.vector_load %arg5[%get3A_659, %get3A_660] {strides = array<i32>} : memref<4x104xi32, #tpu.memory_space<vmem>>, vector<1x16xi32>,
        %get3A_662 = vector.shape_cast %get3A_661 : vector<1x16xi32> to vector<16xi32>
        %add3A_663 = arith.addi %get3A_662, %mul3A_60 : vector<16xi32>
        %swap3A_664 = arith.constant 3 : i32
        %swap3A_665 = arith.index_cast %swap3A_664 : i32 to index
        %swap3A_666 = arith.constant 80 : index
        %swap3A_667 = tpu.vector_load %arg5[%swap3A_665, %swap3A_666] {strides = array<i32>} : memref<4x104xi32, #tpu.memory_space<vmem>>, vector<1x16xi32>,
        %swap3A_668 = vector.shape_cast %swap3A_667 : vector<1x16xi32> to vector<16xi32>
        %swap3A_669 = vector.shape_cast %add3A_663 : vector<16xi32> to vector<1x16xi32>
        tpu.vector_store %arg5[%swap3A_665, %swap3A_666], %swap3A_669 {strides = array<i32>} : memref<4x104xi32, #tpu.memory_space<vmem>>, vector<1x16xi32>,
        %get3A_670 = arith.constant 3 : i32
        %get3A_671 = arith.index_cast %get3A_670 : i32 to index
        %get3A_672 = arith.constant 88 : index
        %get3A_673 = tpu.vector_load %arg5[%get3A_671, %get3A_672] {strides = array<i32>} : memref<4x104xi32, #tpu.memory_space<vmem>>, vector<1x16xi32>,
        %get3A_674 = vector.shape_cast %get3A_673 : vector<1x16xi32> to vector<16xi32>
        %add3A_675 = arith.addi %get3A_674, %select_n3A : vector<16xi32>
        %swap3A_676 = arith.constant 3 : i32
        %swap3A_677 = arith.index_cast %swap3A_676 : i32 to index
        %swap3A_678 = arith.constant 88 : index
        %swap3A_679 = tpu.vector_load %arg5[%swap3A_677, %swap3A_678] {strides = array<i32>} : memref<4x104xi32, #tpu.memory_space<vmem>>, vector<1x16xi32>,
        %swap3A_680 = vector.shape_cast %swap3A_679 : vector<1x16xi32> to vector<16xi32>
        %swap3A_681 = vector.shape_cast %add3A_675 : vector<16xi32> to vector<1x16xi32>
        tpu.vector_store %arg5[%swap3A_677, %swap3A_678], %swap3A_681 {strides = array<i32>} : memref<4x104xi32, #tpu.memory_space<vmem>>, vector<1x16xi32>,
        %dma_start3A_682 = arith.constant 3 : i32
        %dma_start3A_683 = arith.constant 0 : i32
        %dma_start3A_684 = tpu.memref_slice %arg5[%dma_start3A_682, %dma_start3A_683] : memref<4x104xi32, #tpu.memory_space<vmem>> -> memref<1x104xi32, #tpu.memory_space<vmem>>
        %dma_start3A_685 = tpu.memref_squeeze %dma_start3A_684 : memref<1x104xi32, #tpu.memory_space<vmem>> -> memref<104xi32, #tpu.memory_space<vmem>>
        %dma_start3A_686 = arith.constant 0 : i32
        %dma_start3A_687 = arith.constant 0 : i32
        %dma_start3A_688 = tpu.memref_slice %arg6[%dma_start3A_686, %dma_start3A_687] : memref<26000x64xf32, #tpu.memory_space<vmem_shared>> -> memref<26000x64xf32, #tpu.memory_space<vmem_shared>>
        tpu.enqueue_indirect_dma source(%dma_start3A_688 : memref<26000x64xf32, #tpu.memory_space<vmem_shared>>) target(%arg10 : memref<104x64xf32, #tpu.memory_space<vmem>>) offsets(%dma_start3A_685 : memref<104xi32, #tpu.memory_space<vmem>>) semaphore(%arg14 : memref<!tpu.dma_semaphore, #tpu.memory_space<semaphore_mem>>)
      } else {
      }
      %mul3A_485 = arith.constant 4 : i32
      %mul3A_486 = arith.muli %scan3A_453, %mul3A_485 : i32
      %add3A_487 = arith.constant 1 : i32
      %add3A_488 = arith.addi %mul3A_486, %add3A_487 : i32
      %dma_wait3A_489 = arith.constant 1 : i32
      %dma_wait3A_490 = arith.constant 0 : i32
      %dma_wait3A_491 = tpu.memref_slice %arg5[%dma_wait3A_489, %dma_wait3A_490] : memref<4x104xi32, #tpu.memory_space<vmem>> -> memref<1x104xi32, #tpu.memory_space<vmem>>
      %dma_wait3A_492 = tpu.memref_squeeze %dma_wait3A_491 : memref<1x104xi32, #tpu.memory_space<vmem>> -> memref<104xi32, #tpu.memory_space<vmem>>
      %dma_wait3A_493 = arith.constant 0 : i32
      %dma_wait3A_494 = arith.constant 0 : i32
      %dma_wait3A_495 = tpu.memref_slice %arg6[%dma_wait3A_493, %dma_wait3A_494] : memref<26000x64xf32, #tpu.memory_space<vmem_shared>> -> memref<26000x64xf32, #tpu.memory_space<vmem_shared>>
      tpu.wait_indirect_dma semaphore(%arg12 : memref<!tpu.dma_semaphore, #tpu.memory_space<semaphore_mem>>) src(%dma_wait3A_495 : memref<26000x64xf32, #tpu.memory_space<vmem_shared>>) dst(%arg8 : memref<104x64xf32, #tpu.memory_space<vmem>>)
      %mul3A_496 = arith.constant 104 : i32
      %mul3A_497 = arith.muli %add3A_488, %mul3A_496 : i32
      %add3A_498 = arith.addi %mul3A_2, %mul3A_497 : i32
      %dma_start3A_499 = arith.constant 0 : i32
      %dma_start3A_500 = tpu.memref_slice %arg4[%add3A_498, %dma_start3A_499] : memref<532480x64xf32, #tpu.memory_space<hbm>> -> memref<104x64xf32, #tpu.memory_space<hbm>>
      %dma_start3A_501 = arith.constant 0 : i32
      %dma_start3A_502 = tpu.memref_slice %arg4[%add3A_498, %dma_start3A_501] : memref<532480x64xf32, #tpu.memory_space<hbm>> -> memref<104x64xf32, #tpu.memory_space<hbm>>
      tpu.enqueue_dma source(%arg8 : memref<104x64xf32, #tpu.memory_space<vmem>>) target(%dma_start3A_502 : memref<104x64xf32, #tpu.memory_space<hbm>>) target_semaphore(%arg16 : memref<!tpu.dma_semaphore, #tpu.memory_space<semaphore_mem>>)
      %add3A_503 = arith.constant 4 : i32
      %add3A_504 = arith.addi %add3A_488, %add3A_503 : i32
      %lt3A_505 = arith.constant 160 : i32
      %lt3A_506 = arith.cmpi slt, %add3A_504, %lt3A_505 : i32
      %convert_element_type3A_507 = arith.extui %lt3A_506 : i1 to i32
      %cond3A_508 = arith.constant 0 : i32
      %cond3A_509 = arith.cmpi ne, %convert_element_type3A_507, %cond3A_508 : i32
      scf.if %cond3A_509 {
        %mul3A_582 = arith.constant 104 : i32
        %mul3A_583 = arith.muli %add3A_504, %mul3A_582 : i32
        %add3A_584 = arith.addi %mul3A_2, %mul3A_583 : i32
        %dma_start3A_585 = arith.constant 1 : i32
        %dma_start3A_586 = arith.constant 0 : i32
        %dma_start3A_587 = tpu.memref_slice %arg5[%dma_start3A_585, %dma_start3A_586] : memref<4x104xi32, #tpu.memory_space<vmem>> -> memref<1x104xi32, #tpu.memory_space<vmem>>
        %dma_start3A_588 = tpu.memref_squeeze %dma_start3A_587 : memref<1x104xi32, #tpu.memory_space<vmem>> -> memref<104xi32, #tpu.memory_space<vmem>>
        %dma_start3A_589 = tpu.memref_slice %arg2[%add3A_584] : memref<532480xi32, #tpu.memory_space<hbm>> -> memref<104xi32, #tpu.memory_space<hbm>>
        %dma_start3A_590 = arith.constant 0 : i32
        %dma_start3A_591 = tpu.memref_slice %arg5[%dma_start3A_585, %dma_start3A_590] : memref<4x104xi32, #tpu.memory_space<vmem>> -> memref<1x104xi32, #tpu.memory_space<vmem>>
        %dma_start3A_592 = tpu.memref_squeeze %dma_start3A_591 : memref<1x104xi32, #tpu.memory_space<vmem>> -> memref<104xi32, #tpu.memory_space<vmem>>
        %dma_start3A_593 = tpu.memref_slice %arg2[%add3A_584] : memref<532480xi32, #tpu.memory_space<hbm>> -> memref<104xi32, #tpu.memory_space<hbm>>
        tpu.enqueue_dma source(%dma_start3A_593 : memref<104xi32, #tpu.memory_space<hbm>>) target(%dma_start3A_592 : memref<104xi32, #tpu.memory_space<vmem>>) target_semaphore(%arg20 : memref<!tpu.dma_semaphore, #tpu.memory_space<semaphore_mem>>)
      } else {
      }
      %add3A_510 = arith.constant 3 : i32
      %add3A_511 = arith.addi %add3A_488, %add3A_510 : i32
      %lt3A_512 = arith.constant 160 : i32
      %lt3A_513 = arith.cmpi slt, %add3A_511, %lt3A_512 : i32
      %convert_element_type3A_514 = arith.extui %lt3A_513 : i1 to i32
      %cond3A_515 = arith.constant 0 : i32
      %cond3A_516 = arith.cmpi ne, %convert_element_type3A_514, %cond3A_515 : i32
      scf.if %cond3A_516 {
        %ge3A = arith.constant 4 : i32
        %ge3A_582 = arith.cmpi sge, %add3A_511, %ge3A : i32
        %convert_element_type3A_583 = arith.extui %ge3A_582 : i1 to i32
        %cond3A_584 = arith.constant 0 : i32
        %cond3A_585 = arith.cmpi ne, %convert_element_type3A_583, %cond3A_584 : i32
        scf.if %cond3A_585 {
          %sub3A = arith.constant 4 : i32
          %sub3A_689 = arith.subi %add3A_511, %sub3A : i32
          %mul3A_690 = arith.constant 104 : i32
          %mul3A_691 = arith.muli %sub3A_689, %mul3A_690 : i32
          %add3A_692 = arith.addi %mul3A_2, %mul3A_691 : i32
          %dma_wait3A_693 = arith.constant 0 : i32
          %dma_wait3A_694 = tpu.memref_slice %arg4[%add3A_692, %dma_wait3A_693] : memref<532480x64xf32, #tpu.memory_space<hbm>> -> memref<104x64xf32, #tpu.memory_space<hbm>>
          %dma_wait3A_695 = arith.constant 0 : i32
          %dma_wait3A_696 = tpu.memref_slice %arg4[%add3A_692, %dma_wait3A_695] : memref<532480x64xf32, #tpu.memory_space<hbm>> -> memref<104x64xf32, #tpu.memory_space<hbm>>
          tpu.wait_dma2 semaphore(%arg15 : memref<!tpu.dma_semaphore, #tpu.memory_space<semaphore_mem>>) src(%arg7 : memref<104x64xf32, #tpu.memory_space<vmem>>) dst(%dma_wait3A_696 : memref<104x64xf32, #tpu.memory_space<hbm>>)
        } else {
        }
        %mul3A_586 = arith.constant 104 : i32
        %mul3A_587 = arith.muli %add3A_511, %mul3A_586 : i32
        %add3A_588 = arith.addi %mul3A_2, %mul3A_587 : i32
        %dma_wait3A_589 = arith.constant 0 : i32
        %dma_wait3A_590 = arith.constant 0 : i32
        %dma_wait3A_591 = tpu.memref_slice %arg5[%dma_wait3A_589, %dma_wait3A_590] : memref<4x104xi32, #tpu.memory_space<vmem>> -> memref<1x104xi32, #tpu.memory_space<vmem>>
        %dma_wait3A_592 = tpu.memref_squeeze %dma_wait3A_591 : memref<1x104xi32, #tpu.memory_space<vmem>> -> memref<104xi32, #tpu.memory_space<vmem>>
        %dma_wait3A_593 = tpu.memref_slice %arg2[%add3A_588] : memref<532480xi32, #tpu.memory_space<hbm>> -> memref<104xi32, #tpu.memory_space<hbm>>
        %dma_wait3A_594 = arith.constant 0 : i32
        %dma_wait3A_595 = tpu.memref_slice %arg5[%dma_wait3A_589, %dma_wait3A_594] : memref<4x104xi32, #tpu.memory_space<vmem>> -> memref<1x104xi32, #tpu.memory_space<vmem>>
        %dma_wait3A_596 = tpu.memref_squeeze %dma_wait3A_595 : memref<1x104xi32, #tpu.memory_space<vmem>> -> memref<104xi32, #tpu.memory_space<vmem>>
        %dma_wait3A_597 = tpu.memref_slice %arg2[%add3A_588] : memref<532480xi32, #tpu.memory_space<hbm>> -> memref<104xi32, #tpu.memory_space<hbm>>
        tpu.wait_dma2 semaphore(%arg19 : memref<!tpu.dma_semaphore, #tpu.memory_space<semaphore_mem>>) src(%dma_wait3A_597 : memref<104xi32, #tpu.memory_space<hbm>>) dst(%dma_wait3A_596 : memref<104xi32, #tpu.memory_space<vmem>>)
        %get3A_598 = arith.constant 0 : i32
        %get3A_599 = arith.index_cast %get3A_598 : i32 to index
        %get3A_600 = arith.constant 0 : index
        %get3A_601 = tpu.vector_load %arg5[%get3A_599, %get3A_600] {strides = array<i32>} : memref<4x104xi32, #tpu.memory_space<vmem>>, vector<1x16xi32>,
        %get3A_602 = vector.shape_cast %get3A_601 : vector<1x16xi32> to vector<16xi32>
        %add3A_603 = arith.addi %get3A_602, %mul3A_15 : vector<16xi32>
        %swap3A_604 = arith.constant 0 : i32
        %swap3A_605 = arith.index_cast %swap3A_604 : i32 to index
        %swap3A_606 = arith.constant 0 : index
        %swap3A_607 = tpu.vector_load %arg5[%swap3A_605, %swap3A_606] {strides = array<i32>} : memref<4x104xi32, #tpu.memory_space<vmem>>, vector<1x16xi32>,
        %swap3A_608 = vector.shape_cast %swap3A_607 : vector<1x16xi32> to vector<16xi32>
        %swap3A_609 = vector.shape_cast %add3A_603 : vector<16xi32> to vector<1x16xi32>
        tpu.vector_store %arg5[%swap3A_605, %swap3A_606], %swap3A_609 {strides = array<i32>} : memref<4x104xi32, #tpu.memory_space<vmem>>, vector<1x16xi32>,
        %get3A_610 = arith.constant 0 : i32
        %get3A_611 = arith.index_cast %get3A_610 : i32 to index
        %get3A_612 = arith.constant 16 : index
        %get3A_613 = tpu.vector_load %arg5[%get3A_611, %get3A_612] {strides = array<i32>} : memref<4x104xi32, #tpu.memory_space<vmem>>, vector<1x16xi32>,
        %get3A_614 = vector.shape_cast %get3A_613 : vector<1x16xi32> to vector<16xi32>
        %add3A_615 = arith.addi %get3A_614, %mul3A_24 : vector<16xi32>
        %swap3A_616 = arith.constant 0 : i32
        %swap3A_617 = arith.index_cast %swap3A_616 : i32 to index
        %swap3A_618 = arith.constant 16 : index
        %swap3A_619 = tpu.vector_load %arg5[%swap3A_617, %swap3A_618] {strides = array<i32>} : memref<4x104xi32, #tpu.memory_space<vmem>>, vector<1x16xi32>,
        %swap3A_620 = vector.shape_cast %swap3A_619 : vector<1x16xi32> to vector<16xi32>
        %swap3A_621 = vector.shape_cast %add3A_615 : vector<16xi32> to vector<1x16xi32>
        tpu.vector_store %arg5[%swap3A_617, %swap3A_618], %swap3A_621 {strides = array<i32>} : memref<4x104xi32, #tpu.memory_space<vmem>>, vector<1x16xi32>,
        %get3A_622 = arith.constant 0 : i32
        %get3A_623 = arith.index_cast %get3A_622 : i32 to index
        %get3A_624 = arith.constant 32 : index
        %get3A_625 = tpu.vector_load %arg5[%get3A_623, %get3A_624] {strides = array<i32>} : memref<4x104xi32, #tpu.memory_space<vmem>>, vector<1x16xi32>,
        %get3A_626 = vector.shape_cast %get3A_625 : vector<1x16xi32> to vector<16xi32>
        %add3A_627 = arith.addi %get3A_626, %mul3A_33 : vector<16xi32>
        %swap3A_628 = arith.constant 0 : i32
        %swap3A_629 = arith.index_cast %swap3A_628 : i32 to index
        %swap3A_630 = arith.constant 32 : index
        %swap3A_631 = tpu.vector_load %arg5[%swap3A_629, %swap3A_630] {strides = array<i32>} : memref<4x104xi32, #tpu.memory_space<vmem>>, vector<1x16xi32>,
        %swap3A_632 = vector.shape_cast %swap3A_631 : vector<1x16xi32> to vector<16xi32>
        %swap3A_633 = vector.shape_cast %add3A_627 : vector<16xi32> to vector<1x16xi32>
        tpu.vector_store %arg5[%swap3A_629, %swap3A_630], %swap3A_633 {strides = array<i32>} : memref<4x104xi32, #tpu.memory_space<vmem>>, vector<1x16xi32>,
        %get3A_634 = arith.constant 0 : i32
        %get3A_635 = arith.index_cast %get3A_634 : i32 to index
        %get3A_636 = arith.constant 48 : index
        %get3A_637 = tpu.vector_load %arg5[%get3A_635, %get3A_636] {strides = array<i32>} : memref<4x104xi32, #tpu.memory_space<vmem>>, vector<1x16xi32>,
        %get3A_638 = vector.shape_cast %get3A_637 : vector<1x16xi32> to vector<16xi32>
        %add3A_639 = arith.addi %get3A_638, %mul3A_42 : vector<16xi32>
        %swap3A_640 = arith.constant 0 : i32
        %swap3A_641 = arith.index_cast %swap3A_640 : i32 to index
        %swap3A_642 = arith.constant 48 : index
        %swap3A_643 = tpu.vector_load %arg5[%swap3A_641, %swap3A_642] {strides = array<i32>} : memref<4x104xi32, #tpu.memory_space<vmem>>, vector<1x16xi32>,
        %swap3A_644 = vector.shape_cast %swap3A_643 : vector<1x16xi32> to vector<16xi32>
        %swap3A_645 = vector.shape_cast %add3A_639 : vector<16xi32> to vector<1x16xi32>
        tpu.vector_store %arg5[%swap3A_641, %swap3A_642], %swap3A_645 {strides = array<i32>} : memref<4x104xi32, #tpu.memory_space<vmem>>, vector<1x16xi32>,
        %get3A_646 = arith.constant 0 : i32
        %get3A_647 = arith.index_cast %get3A_646 : i32 to index
        %get3A_648 = arith.constant 64 : index
        %get3A_649 = tpu.vector_load %arg5[%get3A_647, %get3A_648] {strides = array<i32>} : memref<4x104xi32, #tpu.memory_space<vmem>>, vector<1x16xi32>,
        %get3A_650 = vector.shape_cast %get3A_649 : vector<1x16xi32> to vector<16xi32>
        %add3A_651 = arith.addi %get3A_650, %mul3A_51 : vector<16xi32>
        %swap3A_652 = arith.constant 0 : i32
        %swap3A_653 = arith.index_cast %swap3A_652 : i32 to index
        %swap3A_654 = arith.constant 64 : index
        %swap3A_655 = tpu.vector_load %arg5[%swap3A_653, %swap3A_654] {strides = array<i32>} : memref<4x104xi32, #tpu.memory_space<vmem>>, vector<1x16xi32>,
        %swap3A_656 = vector.shape_cast %swap3A_655 : vector<1x16xi32> to vector<16xi32>
        %swap3A_657 = vector.shape_cast %add3A_651 : vector<16xi32> to vector<1x16xi32>
        tpu.vector_store %arg5[%swap3A_653, %swap3A_654], %swap3A_657 {strides = array<i32>} : memref<4x104xi32, #tpu.memory_space<vmem>>, vector<1x16xi32>,
        %get3A_658 = arith.constant 0 : i32
        %get3A_659 = arith.index_cast %get3A_658 : i32 to index
        %get3A_660 = arith.constant 80 : index
        %get3A_661 = tpu.vector_load %arg5[%get3A_659, %get3A_660] {strides = array<i32>} : memref<4x104xi32, #tpu.memory_space<vmem>>, vector<1x16xi32>,
        %get3A_662 = vector.shape_cast %get3A_661 : vector<1x16xi32> to vector<16xi32>
        %add3A_663 = arith.addi %get3A_662, %mul3A_60 : vector<16xi32>
        %swap3A_664 = arith.constant 0 : i32
        %swap3A_665 = arith.index_cast %swap3A_664 : i32 to index
        %swap3A_666 = arith.constant 80 : index
        %swap3A_667 = tpu.vector_load %arg5[%swap3A_665, %swap3A_666] {strides = array<i32>} : memref<4x104xi32, #tpu.memory_space<vmem>>, vector<1x16xi32>,
        %swap3A_668 = vector.shape_cast %swap3A_667 : vector<1x16xi32> to vector<16xi32>
        %swap3A_669 = vector.shape_cast %add3A_663 : vector<16xi32> to vector<1x16xi32>
        tpu.vector_store %arg5[%swap3A_665, %swap3A_666], %swap3A_669 {strides = array<i32>} : memref<4x104xi32, #tpu.memory_space<vmem>>, vector<1x16xi32>,
        %get3A_670 = arith.constant 0 : i32
        %get3A_671 = arith.index_cast %get3A_670 : i32 to index
        %get3A_672 = arith.constant 88 : index
        %get3A_673 = tpu.vector_load %arg5[%get3A_671, %get3A_672] {strides = array<i32>} : memref<4x104xi32, #tpu.memory_space<vmem>>, vector<1x16xi32>,
        %get3A_674 = vector.shape_cast %get3A_673 : vector<1x16xi32> to vector<16xi32>
        %add3A_675 = arith.addi %get3A_674, %select_n3A : vector<16xi32>
        %swap3A_676 = arith.constant 0 : i32
        %swap3A_677 = arith.index_cast %swap3A_676 : i32 to index
        %swap3A_678 = arith.constant 88 : index
        %swap3A_679 = tpu.vector_load %arg5[%swap3A_677, %swap3A_678] {strides = array<i32>} : memref<4x104xi32, #tpu.memory_space<vmem>>, vector<1x16xi32>,
        %swap3A_680 = vector.shape_cast %swap3A_679 : vector<1x16xi32> to vector<16xi32>
        %swap3A_681 = vector.shape_cast %add3A_675 : vector<16xi32> to vector<1x16xi32>
        tpu.vector_store %arg5[%swap3A_677, %swap3A_678], %swap3A_681 {strides = array<i32>} : memref<4x104xi32, #tpu.memory_space<vmem>>, vector<1x16xi32>,
        %dma_start3A_682 = arith.constant 0 : i32
        %dma_start3A_683 = arith.constant 0 : i32
        %dma_start3A_684 = tpu.memref_slice %arg5[%dma_start3A_682, %dma_start3A_683] : memref<4x104xi32, #tpu.memory_space<vmem>> -> memref<1x104xi32, #tpu.memory_space<vmem>>
        %dma_start3A_685 = tpu.memref_squeeze %dma_start3A_684 : memref<1x104xi32, #tpu.memory_space<vmem>> -> memref<104xi32, #tpu.memory_space<vmem>>
        %dma_start3A_686 = arith.constant 0 : i32
        %dma_start3A_687 = arith.constant 0 : i32
        %dma_start3A_688 = tpu.memref_slice %arg6[%dma_start3A_686, %dma_start3A_687] : memref<26000x64xf32, #tpu.memory_space<vmem_shared>> -> memref<26000x64xf32, #tpu.memory_space<vmem_shared>>
        tpu.enqueue_indirect_dma source(%dma_start3A_688 : memref<26000x64xf32, #tpu.memory_space<vmem_shared>>) target(%arg7 : memref<104x64xf32, #tpu.memory_space<vmem>>) offsets(%dma_start3A_685 : memref<104xi32, #tpu.memory_space<vmem>>) semaphore(%arg11 : memref<!tpu.dma_semaphore, #tpu.memory_space<semaphore_mem>>)
      } else {
      }
      %mul3A_517 = arith.constant 4 : i32
      %mul3A_518 = arith.muli %scan3A_453, %mul3A_517 : i32
      %add3A_519 = arith.constant 2 : i32
      %add3A_520 = arith.addi %mul3A_518, %add3A_519 : i32
      %dma_wait3A_521 = arith.constant 2 : i32
      %dma_wait3A_522 = arith.constant 0 : i32
      %dma_wait3A_523 = tpu.memref_slice %arg5[%dma_wait3A_521, %dma_wait3A_522] : memref<4x104xi32, #tpu.memory_space<vmem>> -> memref<1x104xi32, #tpu.memory_space<vmem>>
      %dma_wait3A_524 = tpu.memref_squeeze %dma_wait3A_523 : memref<1x104xi32, #tpu.memory_space<vmem>> -> memref<104xi32, #tpu.memory_space<vmem>>
      %dma_wait3A_525 = arith.constant 0 : i32
      %dma_wait3A_526 = arith.constant 0 : i32
      %dma_wait3A_527 = tpu.memref_slice %arg6[%dma_wait3A_525, %dma_wait3A_526] : memref<26000x64xf32, #tpu.memory_space<vmem_shared>> -> memref<26000x64xf32, #tpu.memory_space<vmem_shared>>
      tpu.wait_indirect_dma semaphore(%arg13 : memref<!tpu.dma_semaphore, #tpu.memory_space<semaphore_mem>>) src(%dma_wait3A_527 : memref<26000x64xf32, #tpu.memory_space<vmem_shared>>) dst(%arg9 : memref<104x64xf32, #tpu.memory_space<vmem>>)
      %mul3A_528 = arith.constant 104 : i32
      %mul3A_529 = arith.muli %add3A_520, %mul3A_528 : i32
      %add3A_530 = arith.addi %mul3A_2, %mul3A_529 : i32
      %dma_start3A_531 = arith.constant 0 : i32
      %dma_start3A_532 = tpu.memref_slice %arg4[%add3A_530, %dma_start3A_531] : memref<532480x64xf32, #tpu.memory_space<hbm>> -> memref<104x64xf32, #tpu.memory_space<hbm>>
      %dma_start3A_533 = arith.constant 0 : i32
      %dma_start3A_534 = tpu.memref_slice %arg4[%add3A_530, %dma_start3A_533] : memref<532480x64xf32, #tpu.memory_space<hbm>> -> memref<104x64xf32, #tpu.memory_space<hbm>>
      tpu.enqueue_dma source(%arg9 : memref<104x64xf32, #tpu.memory_space<vmem>>) target(%dma_start3A_534 : memref<104x64xf32, #tpu.memory_space<hbm>>) target_semaphore(%arg17 : memref<!tpu.dma_semaphore, #tpu.memory_space<semaphore_mem>>)
      %add3A_535 = arith.constant 4 : i32
      %add3A_536 = arith.addi %add3A_520, %add3A_535 : i32
      %lt3A_537 = arith.constant 160 : i32
      %lt3A_538 = arith.cmpi slt, %add3A_536, %lt3A_537 : i32
      %convert_element_type3A_539 = arith.extui %lt3A_538 : i1 to i32
      %cond3A_540 = arith.constant 0 : i32
      %cond3A_541 = arith.cmpi ne, %convert_element_type3A_539, %cond3A_540 : i32
      scf.if %cond3A_541 {
        %mul3A_582 = arith.constant 104 : i32
        %mul3A_583 = arith.muli %add3A_536, %mul3A_582 : i32
        %add3A_584 = arith.addi %mul3A_2, %mul3A_583 : i32
        %dma_start3A_585 = arith.constant 2 : i32
        %dma_start3A_586 = arith.constant 0 : i32
        %dma_start3A_587 = tpu.memref_slice %arg5[%dma_start3A_585, %dma_start3A_586] : memref<4x104xi32, #tpu.memory_space<vmem>> -> memref<1x104xi32, #tpu.memory_space<vmem>>
        %dma_start3A_588 = tpu.memref_squeeze %dma_start3A_587 : memref<1x104xi32, #tpu.memory_space<vmem>> -> memref<104xi32, #tpu.memory_space<vmem>>
        %dma_start3A_589 = tpu.memref_slice %arg2[%add3A_584] : memref<532480xi32, #tpu.memory_space<hbm>> -> memref<104xi32, #tpu.memory_space<hbm>>
        %dma_start3A_590 = arith.constant 0 : i32
        %dma_start3A_591 = tpu.memref_slice %arg5[%dma_start3A_585, %dma_start3A_590] : memref<4x104xi32, #tpu.memory_space<vmem>> -> memref<1x104xi32, #tpu.memory_space<vmem>>
        %dma_start3A_592 = tpu.memref_squeeze %dma_start3A_591 : memref<1x104xi32, #tpu.memory_space<vmem>> -> memref<104xi32, #tpu.memory_space<vmem>>
        %dma_start3A_593 = tpu.memref_slice %arg2[%add3A_584] : memref<532480xi32, #tpu.memory_space<hbm>> -> memref<104xi32, #tpu.memory_space<hbm>>
        tpu.enqueue_dma source(%dma_start3A_593 : memref<104xi32, #tpu.memory_space<hbm>>) target(%dma_start3A_592 : memref<104xi32, #tpu.memory_space<vmem>>) target_semaphore(%arg21 : memref<!tpu.dma_semaphore, #tpu.memory_space<semaphore_mem>>)
      } else {
      }
      %add3A_542 = arith.constant 3 : i32
      %add3A_543 = arith.addi %add3A_520, %add3A_542 : i32
      %lt3A_544 = arith.constant 160 : i32
      %lt3A_545 = arith.cmpi slt, %add3A_543, %lt3A_544 : i32
      %convert_element_type3A_546 = arith.extui %lt3A_545 : i1 to i32
      %cond3A_547 = arith.constant 0 : i32
      %cond3A_548 = arith.cmpi ne, %convert_element_type3A_546, %cond3A_547 : i32
      scf.if %cond3A_548 {
        %ge3A = arith.constant 4 : i32
        %ge3A_582 = arith.cmpi sge, %add3A_543, %ge3A : i32
        %convert_element_type3A_583 = arith.extui %ge3A_582 : i1 to i32
        %cond3A_584 = arith.constant 0 : i32
        %cond3A_585 = arith.cmpi ne, %convert_element_type3A_583, %cond3A_584 : i32
        scf.if %cond3A_585 {
          %sub3A = arith.constant 4 : i32
          %sub3A_689 = arith.subi %add3A_543, %sub3A : i32
          %mul3A_690 = arith.constant 104 : i32
          %mul3A_691 = arith.muli %sub3A_689, %mul3A_690 : i32
          %add3A_692 = arith.addi %mul3A_2, %mul3A_691 : i32
          %dma_wait3A_693 = arith.constant 0 : i32
          %dma_wait3A_694 = tpu.memref_slice %arg4[%add3A_692, %dma_wait3A_693] : memref<532480x64xf32, #tpu.memory_space<hbm>> -> memref<104x64xf32, #tpu.memory_space<hbm>>
          %dma_wait3A_695 = arith.constant 0 : i32
          %dma_wait3A_696 = tpu.memref_slice %arg4[%add3A_692, %dma_wait3A_695] : memref<532480x64xf32, #tpu.memory_space<hbm>> -> memref<104x64xf32, #tpu.memory_space<hbm>>
          tpu.wait_dma2 semaphore(%arg16 : memref<!tpu.dma_semaphore, #tpu.memory_space<semaphore_mem>>) src(%arg8 : memref<104x64xf32, #tpu.memory_space<vmem>>) dst(%dma_wait3A_696 : memref<104x64xf32, #tpu.memory_space<hbm>>)
        } else {
        }
        %mul3A_586 = arith.constant 104 : i32
        %mul3A_587 = arith.muli %add3A_543, %mul3A_586 : i32
        %add3A_588 = arith.addi %mul3A_2, %mul3A_587 : i32
        %dma_wait3A_589 = arith.constant 1 : i32
        %dma_wait3A_590 = arith.constant 0 : i32
        %dma_wait3A_591 = tpu.memref_slice %arg5[%dma_wait3A_589, %dma_wait3A_590] : memref<4x104xi32, #tpu.memory_space<vmem>> -> memref<1x104xi32, #tpu.memory_space<vmem>>
        %dma_wait3A_592 = tpu.memref_squeeze %dma_wait3A_591 : memref<1x104xi32, #tpu.memory_space<vmem>> -> memref<104xi32, #tpu.memory_space<vmem>>
        %dma_wait3A_593 = tpu.memref_slice %arg2[%add3A_588] : memref<532480xi32, #tpu.memory_space<hbm>> -> memref<104xi32, #tpu.memory_space<hbm>>
        %dma_wait3A_594 = arith.constant 0 : i32
        %dma_wait3A_595 = tpu.memref_slice %arg5[%dma_wait3A_589, %dma_wait3A_594] : memref<4x104xi32, #tpu.memory_space<vmem>> -> memref<1x104xi32, #tpu.memory_space<vmem>>
        %dma_wait3A_596 = tpu.memref_squeeze %dma_wait3A_595 : memref<1x104xi32, #tpu.memory_space<vmem>> -> memref<104xi32, #tpu.memory_space<vmem>>
        %dma_wait3A_597 = tpu.memref_slice %arg2[%add3A_588] : memref<532480xi32, #tpu.memory_space<hbm>> -> memref<104xi32, #tpu.memory_space<hbm>>
        tpu.wait_dma2 semaphore(%arg20 : memref<!tpu.dma_semaphore, #tpu.memory_space<semaphore_mem>>) src(%dma_wait3A_597 : memref<104xi32, #tpu.memory_space<hbm>>) dst(%dma_wait3A_596 : memref<104xi32, #tpu.memory_space<vmem>>)
        %get3A_598 = arith.constant 1 : i32
        %get3A_599 = arith.index_cast %get3A_598 : i32 to index
        %get3A_600 = arith.constant 0 : index
        %get3A_601 = tpu.vector_load %arg5[%get3A_599, %get3A_600] {strides = array<i32>} : memref<4x104xi32, #tpu.memory_space<vmem>>, vector<1x16xi32>,
        %get3A_602 = vector.shape_cast %get3A_601 : vector<1x16xi32> to vector<16xi32>
        %add3A_603 = arith.addi %get3A_602, %mul3A_15 : vector<16xi32>
        %swap3A_604 = arith.constant 1 : i32
        %swap3A_605 = arith.index_cast %swap3A_604 : i32 to index
        %swap3A_606 = arith.constant 0 : index
        %swap3A_607 = tpu.vector_load %arg5[%swap3A_605, %swap3A_606] {strides = array<i32>} : memref<4x104xi32, #tpu.memory_space<vmem>>, vector<1x16xi32>,
        %swap3A_608 = vector.shape_cast %swap3A_607 : vector<1x16xi32> to vector<16xi32>
        %swap3A_609 = vector.shape_cast %add3A_603 : vector<16xi32> to vector<1x16xi32>
        tpu.vector_store %arg5[%swap3A_605, %swap3A_606], %swap3A_609 {strides = array<i32>} : memref<4x104xi32, #tpu.memory_space<vmem>>, vector<1x16xi32>,
        %get3A_610 = arith.constant 1 : i32
        %get3A_611 = arith.index_cast %get3A_610 : i32 to index
        %get3A_612 = arith.constant 16 : index
        %get3A_613 = tpu.vector_load %arg5[%get3A_611, %get3A_612] {strides = array<i32>} : memref<4x104xi32, #tpu.memory_space<vmem>>, vector<1x16xi32>,
        %get3A_614 = vector.shape_cast %get3A_613 : vector<1x16xi32> to vector<16xi32>
        %add3A_615 = arith.addi %get3A_614, %mul3A_24 : vector<16xi32>
        %swap3A_616 = arith.constant 1 : i32
        %swap3A_617 = arith.index_cast %swap3A_616 : i32 to index
        %swap3A_618 = arith.constant 16 : index
        %swap3A_619 = tpu.vector_load %arg5[%swap3A_617, %swap3A_618] {strides = array<i32>} : memref<4x104xi32, #tpu.memory_space<vmem>>, vector<1x16xi32>,
        %swap3A_620 = vector.shape_cast %swap3A_619 : vector<1x16xi32> to vector<16xi32>
        %swap3A_621 = vector.shape_cast %add3A_615 : vector<16xi32> to vector<1x16xi32>
        tpu.vector_store %arg5[%swap3A_617, %swap3A_618], %swap3A_621 {strides = array<i32>} : memref<4x104xi32, #tpu.memory_space<vmem>>, vector<1x16xi32>,
        %get3A_622 = arith.constant 1 : i32
        %get3A_623 = arith.index_cast %get3A_622 : i32 to index
        %get3A_624 = arith.constant 32 : index
        %get3A_625 = tpu.vector_load %arg5[%get3A_623, %get3A_624] {strides = array<i32>} : memref<4x104xi32, #tpu.memory_space<vmem>>, vector<1x16xi32>,
        %get3A_626 = vector.shape_cast %get3A_625 : vector<1x16xi32> to vector<16xi32>
        %add3A_627 = arith.addi %get3A_626, %mul3A_33 : vector<16xi32>
        %swap3A_628 = arith.constant 1 : i32
        %swap3A_629 = arith.index_cast %swap3A_628 : i32 to index
        %swap3A_630 = arith.constant 32 : index
        %swap3A_631 = tpu.vector_load %arg5[%swap3A_629, %swap3A_630] {strides = array<i32>} : memref<4x104xi32, #tpu.memory_space<vmem>>, vector<1x16xi32>,
        %swap3A_632 = vector.shape_cast %swap3A_631 : vector<1x16xi32> to vector<16xi32>
        %swap3A_633 = vector.shape_cast %add3A_627 : vector<16xi32> to vector<1x16xi32>
        tpu.vector_store %arg5[%swap3A_629, %swap3A_630], %swap3A_633 {strides = array<i32>} : memref<4x104xi32, #tpu.memory_space<vmem>>, vector<1x16xi32>,
        %get3A_634 = arith.constant 1 : i32
        %get3A_635 = arith.index_cast %get3A_634 : i32 to index
        %get3A_636 = arith.constant 48 : index
        %get3A_637 = tpu.vector_load %arg5[%get3A_635, %get3A_636] {strides = array<i32>} : memref<4x104xi32, #tpu.memory_space<vmem>>, vector<1x16xi32>,
        %get3A_638 = vector.shape_cast %get3A_637 : vector<1x16xi32> to vector<16xi32>
        %add3A_639 = arith.addi %get3A_638, %mul3A_42 : vector<16xi32>
        %swap3A_640 = arith.constant 1 : i32
        %swap3A_641 = arith.index_cast %swap3A_640 : i32 to index
        %swap3A_642 = arith.constant 48 : index
        %swap3A_643 = tpu.vector_load %arg5[%swap3A_641, %swap3A_642] {strides = array<i32>} : memref<4x104xi32, #tpu.memory_space<vmem>>, vector<1x16xi32>,
        %swap3A_644 = vector.shape_cast %swap3A_643 : vector<1x16xi32> to vector<16xi32>
        %swap3A_645 = vector.shape_cast %add3A_639 : vector<16xi32> to vector<1x16xi32>
        tpu.vector_store %arg5[%swap3A_641, %swap3A_642], %swap3A_645 {strides = array<i32>} : memref<4x104xi32, #tpu.memory_space<vmem>>, vector<1x16xi32>,
        %get3A_646 = arith.constant 1 : i32
        %get3A_647 = arith.index_cast %get3A_646 : i32 to index
        %get3A_648 = arith.constant 64 : index
        %get3A_649 = tpu.vector_load %arg5[%get3A_647, %get3A_648] {strides = array<i32>} : memref<4x104xi32, #tpu.memory_space<vmem>>, vector<1x16xi32>,
        %get3A_650 = vector.shape_cast %get3A_649 : vector<1x16xi32> to vector<16xi32>
        %add3A_651 = arith.addi %get3A_650, %mul3A_51 : vector<16xi32>
        %swap3A_652 = arith.constant 1 : i32
        %swap3A_653 = arith.index_cast %swap3A_652 : i32 to index
        %swap3A_654 = arith.constant 64 : index
        %swap3A_655 = tpu.vector_load %arg5[%swap3A_653, %swap3A_654] {strides = array<i32>} : memref<4x104xi32, #tpu.memory_space<vmem>>, vector<1x16xi32>,
        %swap3A_656 = vector.shape_cast %swap3A_655 : vector<1x16xi32> to vector<16xi32>
        %swap3A_657 = vector.shape_cast %add3A_651 : vector<16xi32> to vector<1x16xi32>
        tpu.vector_store %arg5[%swap3A_653, %swap3A_654], %swap3A_657 {strides = array<i32>} : memref<4x104xi32, #tpu.memory_space<vmem>>, vector<1x16xi32>,
        %get3A_658 = arith.constant 1 : i32
        %get3A_659 = arith.index_cast %get3A_658 : i32 to index
        %get3A_660 = arith.constant 80 : index
        %get3A_661 = tpu.vector_load %arg5[%get3A_659, %get3A_660] {strides = array<i32>} : memref<4x104xi32, #tpu.memory_space<vmem>>, vector<1x16xi32>,
        %get3A_662 = vector.shape_cast %get3A_661 : vector<1x16xi32> to vector<16xi32>
        %add3A_663 = arith.addi %get3A_662, %mul3A_60 : vector<16xi32>
        %swap3A_664 = arith.constant 1 : i32
        %swap3A_665 = arith.index_cast %swap3A_664 : i32 to index
        %swap3A_666 = arith.constant 80 : index
        %swap3A_667 = tpu.vector_load %arg5[%swap3A_665, %swap3A_666] {strides = array<i32>} : memref<4x104xi32, #tpu.memory_space<vmem>>, vector<1x16xi32>,
        %swap3A_668 = vector.shape_cast %swap3A_667 : vector<1x16xi32> to vector<16xi32>
        %swap3A_669 = vector.shape_cast %add3A_663 : vector<16xi32> to vector<1x16xi32>
        tpu.vector_store %arg5[%swap3A_665, %swap3A_666], %swap3A_669 {strides = array<i32>} : memref<4x104xi32, #tpu.memory_space<vmem>>, vector<1x16xi32>,
        %get3A_670 = arith.constant 1 : i32
        %get3A_671 = arith.index_cast %get3A_670 : i32 to index
        %get3A_672 = arith.constant 88 : index
        %get3A_673 = tpu.vector_load %arg5[%get3A_671, %get3A_672] {strides = array<i32>} : memref<4x104xi32, #tpu.memory_space<vmem>>, vector<1x16xi32>,
        %get3A_674 = vector.shape_cast %get3A_673 : vector<1x16xi32> to vector<16xi32>
        %add3A_675 = arith.addi %get3A_674, %select_n3A : vector<16xi32>
        %swap3A_676 = arith.constant 1 : i32
        %swap3A_677 = arith.index_cast %swap3A_676 : i32 to index
        %swap3A_678 = arith.constant 88 : index
        %swap3A_679 = tpu.vector_load %arg5[%swap3A_677, %swap3A_678] {strides = array<i32>} : memref<4x104xi32, #tpu.memory_space<vmem>>, vector<1x16xi32>,
        %swap3A_680 = vector.shape_cast %swap3A_679 : vector<1x16xi32> to vector<16xi32>
        %swap3A_681 = vector.shape_cast %add3A_675 : vector<16xi32> to vector<1x16xi32>
        tpu.vector_store %arg5[%swap3A_677, %swap3A_678], %swap3A_681 {strides = array<i32>} : memref<4x104xi32, #tpu.memory_space<vmem>>, vector<1x16xi32>,
        %dma_start3A_682 = arith.constant 1 : i32
        %dma_start3A_683 = arith.constant 0 : i32
        %dma_start3A_684 = tpu.memref_slice %arg5[%dma_start3A_682, %dma_start3A_683] : memref<4x104xi32, #tpu.memory_space<vmem>> -> memref<1x104xi32, #tpu.memory_space<vmem>>
        %dma_start3A_685 = tpu.memref_squeeze %dma_start3A_684 : memref<1x104xi32, #tpu.memory_space<vmem>> -> memref<104xi32, #tpu.memory_space<vmem>>
        %dma_start3A_686 = arith.constant 0 : i32
        %dma_start3A_687 = arith.constant 0 : i32
        %dma_start3A_688 = tpu.memref_slice %arg6[%dma_start3A_686, %dma_start3A_687] : memref<26000x64xf32, #tpu.memory_space<vmem_shared>> -> memref<26000x64xf32, #tpu.memory_space<vmem_shared>>
        tpu.enqueue_indirect_dma source(%dma_start3A_688 : memref<26000x64xf32, #tpu.memory_space<vmem_shared>>) target(%arg8 : memref<104x64xf32, #tpu.memory_space<vmem>>) offsets(%dma_start3A_685 : memref<104xi32, #tpu.memory_space<vmem>>) semaphore(%arg12 : memref<!tpu.dma_semaphore, #tpu.memory_space<semaphore_mem>>)
      } else {
      }
      %mul3A_549 = arith.constant 4 : i32
      %mul3A_550 = arith.muli %scan3A_453, %mul3A_549 : i32
      %add3A_551 = arith.constant 3 : i32
      %add3A_552 = arith.addi %mul3A_550, %add3A_551 : i32
      %dma_wait3A_553 = arith.constant 3 : i32
      %dma_wait3A_554 = arith.constant 0 : i32
      %dma_wait3A_555 = tpu.memref_slice %arg5[%dma_wait3A_553, %dma_wait3A_554] : memref<4x104xi32, #tpu.memory_space<vmem>> -> memref<1x104xi32, #tpu.memory_space<vmem>>
      %dma_wait3A_556 = tpu.memref_squeeze %dma_wait3A_555 : memref<1x104xi32, #tpu.memory_space<vmem>> -> memref<104xi32, #tpu.memory_space<vmem>>
      %dma_wait3A_557 = arith.constant 0 : i32
      %dma_wait3A_558 = arith.constant 0 : i32
      %dma_wait3A_559 = tpu.memref_slice %arg6[%dma_wait3A_557, %dma_wait3A_558] : memref<26000x64xf32, #tpu.memory_space<vmem_shared>> -> memref<26000x64xf32, #tpu.memory_space<vmem_shared>>
      tpu.wait_indirect_dma semaphore(%arg14 : memref<!tpu.dma_semaphore, #tpu.memory_space<semaphore_mem>>) src(%dma_wait3A_559 : memref<26000x64xf32, #tpu.memory_space<vmem_shared>>) dst(%arg10 : memref<104x64xf32, #tpu.memory_space<vmem>>)
      %mul3A_560 = arith.constant 104 : i32
      %mul3A_561 = arith.muli %add3A_552, %mul3A_560 : i32
      %add3A_562 = arith.addi %mul3A_2, %mul3A_561 : i32
      %dma_start3A_563 = arith.constant 0 : i32
      %dma_start3A_564 = tpu.memref_slice %arg4[%add3A_562, %dma_start3A_563] : memref<532480x64xf32, #tpu.memory_space<hbm>> -> memref<104x64xf32, #tpu.memory_space<hbm>>
      %dma_start3A_565 = arith.constant 0 : i32
      %dma_start3A_566 = tpu.memref_slice %arg4[%add3A_562, %dma_start3A_565] : memref<532480x64xf32, #tpu.memory_space<hbm>> -> memref<104x64xf32, #tpu.memory_space<hbm>>
      tpu.enqueue_dma source(%arg10 : memref<104x64xf32, #tpu.memory_space<vmem>>) target(%dma_start3A_566 : memref<104x64xf32, #tpu.memory_space<hbm>>) target_semaphore(%arg18 : memref<!tpu.dma_semaphore, #tpu.memory_space<semaphore_mem>>)
      %add3A_567 = arith.constant 4 : i32
      %add3A_568 = arith.addi %add3A_552, %add3A_567 : i32
      %lt3A_569 = arith.constant 160 : i32
      %lt3A_570 = arith.cmpi slt, %add3A_568, %lt3A_569 : i32
      %convert_element_type3A_571 = arith.extui %lt3A_570 : i1 to i32
      %cond3A_572 = arith.constant 0 : i32
      %cond3A_573 = arith.cmpi ne, %convert_element_type3A_571, %cond3A_572 : i32
      scf.if %cond3A_573 {
        %mul3A_582 = arith.constant 104 : i32
        %mul3A_583 = arith.muli %add3A_568, %mul3A_582 : i32
        %add3A_584 = arith.addi %mul3A_2, %mul3A_583 : i32
        %dma_start3A_585 = arith.constant 3 : i32
        %dma_start3A_586 = arith.constant 0 : i32
        %dma_start3A_587 = tpu.memref_slice %arg5[%dma_start3A_585, %dma_start3A_586] : memref<4x104xi32, #tpu.memory_space<vmem>> -> memref<1x104xi32, #tpu.memory_space<vmem>>
        %dma_start3A_588 = tpu.memref_squeeze %dma_start3A_587 : memref<1x104xi32, #tpu.memory_space<vmem>> -> memref<104xi32, #tpu.memory_space<vmem>>
        %dma_start3A_589 = tpu.memref_slice %arg2[%add3A_584] : memref<532480xi32, #tpu.memory_space<hbm>> -> memref<104xi32, #tpu.memory_space<hbm>>
        %dma_start3A_590 = arith.constant 0 : i32
        %dma_start3A_591 = tpu.memref_slice %arg5[%dma_start3A_585, %dma_start3A_590] : memref<4x104xi32, #tpu.memory_space<vmem>> -> memref<1x104xi32, #tpu.memory_space<vmem>>
        %dma_start3A_592 = tpu.memref_squeeze %dma_start3A_591 : memref<1x104xi32, #tpu.memory_space<vmem>> -> memref<104xi32, #tpu.memory_space<vmem>>
        %dma_start3A_593 = tpu.memref_slice %arg2[%add3A_584] : memref<532480xi32, #tpu.memory_space<hbm>> -> memref<104xi32, #tpu.memory_space<hbm>>
        tpu.enqueue_dma source(%dma_start3A_593 : memref<104xi32, #tpu.memory_space<hbm>>) target(%dma_start3A_592 : memref<104xi32, #tpu.memory_space<vmem>>) target_semaphore(%arg22 : memref<!tpu.dma_semaphore, #tpu.memory_space<semaphore_mem>>)
      } else {
      }
      %add3A_574 = arith.constant 3 : i32
      %add3A_575 = arith.addi %add3A_552, %add3A_574 : i32
      %lt3A_576 = arith.constant 160 : i32
      %lt3A_577 = arith.cmpi slt, %add3A_575, %lt3A_576 : i32
      %convert_element_type3A_578 = arith.extui %lt3A_577 : i1 to i32
      %cond3A_579 = arith.constant 0 : i32
      %cond3A_580 = arith.cmpi ne, %convert_element_type3A_578, %cond3A_579 : i32
      scf.if %cond3A_580 {
        %ge3A = arith.constant 4 : i32
        %ge3A_582 = arith.cmpi sge, %add3A_575, %ge3A : i32
        %convert_element_type3A_583 = arith.extui %ge3A_582 : i1 to i32
        %cond3A_584 = arith.constant 0 : i32
        %cond3A_585 = arith.cmpi ne, %convert_element_type3A_583, %cond3A_584 : i32
        scf.if %cond3A_585 {
          %sub3A = arith.constant 4 : i32
          %sub3A_689 = arith.subi %add3A_575, %sub3A : i32
          %mul3A_690 = arith.constant 104 : i32
          %mul3A_691 = arith.muli %sub3A_689, %mul3A_690 : i32
          %add3A_692 = arith.addi %mul3A_2, %mul3A_691 : i32
          %dma_wait3A_693 = arith.constant 0 : i32
          %dma_wait3A_694 = tpu.memref_slice %arg4[%add3A_692, %dma_wait3A_693] : memref<532480x64xf32, #tpu.memory_space<hbm>> -> memref<104x64xf32, #tpu.memory_space<hbm>>
          %dma_wait3A_695 = arith.constant 0 : i32
          %dma_wait3A_696 = tpu.memref_slice %arg4[%add3A_692, %dma_wait3A_695] : memref<532480x64xf32, #tpu.memory_space<hbm>> -> memref<104x64xf32, #tpu.memory_space<hbm>>
          tpu.wait_dma2 semaphore(%arg17 : memref<!tpu.dma_semaphore, #tpu.memory_space<semaphore_mem>>) src(%arg9 : memref<104x64xf32, #tpu.memory_space<vmem>>) dst(%dma_wait3A_696 : memref<104x64xf32, #tpu.memory_space<hbm>>)
        } else {
        }
        %mul3A_586 = arith.constant 104 : i32
        %mul3A_587 = arith.muli %add3A_575, %mul3A_586 : i32
        %add3A_588 = arith.addi %mul3A_2, %mul3A_587 : i32
        %dma_wait3A_589 = arith.constant 2 : i32
        %dma_wait3A_590 = arith.constant 0 : i32
        %dma_wait3A_591 = tpu.memref_slice %arg5[%dma_wait3A_589, %dma_wait3A_590] : memref<4x104xi32, #tpu.memory_space<vmem>> -> memref<1x104xi32, #tpu.memory_space<vmem>>
        %dma_wait3A_592 = tpu.memref_squeeze %dma_wait3A_591 : memref<1x104xi32, #tpu.memory_space<vmem>> -> memref<104xi32, #tpu.memory_space<vmem>>
        %dma_wait3A_593 = tpu.memref_slice %arg2[%add3A_588] : memref<532480xi32, #tpu.memory_space<hbm>> -> memref<104xi32, #tpu.memory_space<hbm>>
        %dma_wait3A_594 = arith.constant 0 : i32
        %dma_wait3A_595 = tpu.memref_slice %arg5[%dma_wait3A_589, %dma_wait3A_594] : memref<4x104xi32, #tpu.memory_space<vmem>> -> memref<1x104xi32, #tpu.memory_space<vmem>>
        %dma_wait3A_596 = tpu.memref_squeeze %dma_wait3A_595 : memref<1x104xi32, #tpu.memory_space<vmem>> -> memref<104xi32, #tpu.memory_space<vmem>>
        %dma_wait3A_597 = tpu.memref_slice %arg2[%add3A_588] : memref<532480xi32, #tpu.memory_space<hbm>> -> memref<104xi32, #tpu.memory_space<hbm>>
        tpu.wait_dma2 semaphore(%arg21 : memref<!tpu.dma_semaphore, #tpu.memory_space<semaphore_mem>>) src(%dma_wait3A_597 : memref<104xi32, #tpu.memory_space<hbm>>) dst(%dma_wait3A_596 : memref<104xi32, #tpu.memory_space<vmem>>)
        %get3A_598 = arith.constant 2 : i32
        %get3A_599 = arith.index_cast %get3A_598 : i32 to index
        %get3A_600 = arith.constant 0 : index
        %get3A_601 = tpu.vector_load %arg5[%get3A_599, %get3A_600] {strides = array<i32>} : memref<4x104xi32, #tpu.memory_space<vmem>>, vector<1x16xi32>,
        %get3A_602 = vector.shape_cast %get3A_601 : vector<1x16xi32> to vector<16xi32>
        %add3A_603 = arith.addi %get3A_602, %mul3A_15 : vector<16xi32>
        %swap3A_604 = arith.constant 2 : i32
        %swap3A_605 = arith.index_cast %swap3A_604 : i32 to index
        %swap3A_606 = arith.constant 0 : index
        %swap3A_607 = tpu.vector_load %arg5[%swap3A_605, %swap3A_606] {strides = array<i32>} : memref<4x104xi32, #tpu.memory_space<vmem>>, vector<1x16xi32>,
        %swap3A_608 = vector.shape_cast %swap3A_607 : vector<1x16xi32> to vector<16xi32>
        %swap3A_609 = vector.shape_cast %add3A_603 : vector<16xi32> to vector<1x16xi32>
        tpu.vector_store %arg5[%swap3A_605, %swap3A_606], %swap3A_609 {strides = array<i32>} : memref<4x104xi32, #tpu.memory_space<vmem>>, vector<1x16xi32>,
        %get3A_610 = arith.constant 2 : i32
        %get3A_611 = arith.index_cast %get3A_610 : i32 to index
        %get3A_612 = arith.constant 16 : index
        %get3A_613 = tpu.vector_load %arg5[%get3A_611, %get3A_612] {strides = array<i32>} : memref<4x104xi32, #tpu.memory_space<vmem>>, vector<1x16xi32>,
        %get3A_614 = vector.shape_cast %get3A_613 : vector<1x16xi32> to vector<16xi32>
        %add3A_615 = arith.addi %get3A_614, %mul3A_24 : vector<16xi32>
        %swap3A_616 = arith.constant 2 : i32
        %swap3A_617 = arith.index_cast %swap3A_616 : i32 to index
        %swap3A_618 = arith.constant 16 : index
        %swap3A_619 = tpu.vector_load %arg5[%swap3A_617, %swap3A_618] {strides = array<i32>} : memref<4x104xi32, #tpu.memory_space<vmem>>, vector<1x16xi32>,
        %swap3A_620 = vector.shape_cast %swap3A_619 : vector<1x16xi32> to vector<16xi32>
        %swap3A_621 = vector.shape_cast %add3A_615 : vector<16xi32> to vector<1x16xi32>
        tpu.vector_store %arg5[%swap3A_617, %swap3A_618], %swap3A_621 {strides = array<i32>} : memref<4x104xi32, #tpu.memory_space<vmem>>, vector<1x16xi32>,
        %get3A_622 = arith.constant 2 : i32
        %get3A_623 = arith.index_cast %get3A_622 : i32 to index
        %get3A_624 = arith.constant 32 : index
        %get3A_625 = tpu.vector_load %arg5[%get3A_623, %get3A_624] {strides = array<i32>} : memref<4x104xi32, #tpu.memory_space<vmem>>, vector<1x16xi32>,
        %get3A_626 = vector.shape_cast %get3A_625 : vector<1x16xi32> to vector<16xi32>
        %add3A_627 = arith.addi %get3A_626, %mul3A_33 : vector<16xi32>
        %swap3A_628 = arith.constant 2 : i32
        %swap3A_629 = arith.index_cast %swap3A_628 : i32 to index
        %swap3A_630 = arith.constant 32 : index
        %swap3A_631 = tpu.vector_load %arg5[%swap3A_629, %swap3A_630] {strides = array<i32>} : memref<4x104xi32, #tpu.memory_space<vmem>>, vector<1x16xi32>,
        %swap3A_632 = vector.shape_cast %swap3A_631 : vector<1x16xi32> to vector<16xi32>
        %swap3A_633 = vector.shape_cast %add3A_627 : vector<16xi32> to vector<1x16xi32>
        tpu.vector_store %arg5[%swap3A_629, %swap3A_630], %swap3A_633 {strides = array<i32>} : memref<4x104xi32, #tpu.memory_space<vmem>>, vector<1x16xi32>,
        %get3A_634 = arith.constant 2 : i32
        %get3A_635 = arith.index_cast %get3A_634 : i32 to index
        %get3A_636 = arith.constant 48 : index
        %get3A_637 = tpu.vector_load %arg5[%get3A_635, %get3A_636] {strides = array<i32>} : memref<4x104xi32, #tpu.memory_space<vmem>>, vector<1x16xi32>,
        %get3A_638 = vector.shape_cast %get3A_637 : vector<1x16xi32> to vector<16xi32>
        %add3A_639 = arith.addi %get3A_638, %mul3A_42 : vector<16xi32>
        %swap3A_640 = arith.constant 2 : i32
        %swap3A_641 = arith.index_cast %swap3A_640 : i32 to index
        %swap3A_642 = arith.constant 48 : index
        %swap3A_643 = tpu.vector_load %arg5[%swap3A_641, %swap3A_642] {strides = array<i32>} : memref<4x104xi32, #tpu.memory_space<vmem>>, vector<1x16xi32>,
        %swap3A_644 = vector.shape_cast %swap3A_643 : vector<1x16xi32> to vector<16xi32>
        %swap3A_645 = vector.shape_cast %add3A_639 : vector<16xi32> to vector<1x16xi32>
        tpu.vector_store %arg5[%swap3A_641, %swap3A_642], %swap3A_645 {strides = array<i32>} : memref<4x104xi32, #tpu.memory_space<vmem>>, vector<1x16xi32>,
        %get3A_646 = arith.constant 2 : i32
        %get3A_647 = arith.index_cast %get3A_646 : i32 to index
        %get3A_648 = arith.constant 64 : index
        %get3A_649 = tpu.vector_load %arg5[%get3A_647, %get3A_648] {strides = array<i32>} : memref<4x104xi32, #tpu.memory_space<vmem>>, vector<1x16xi32>,
        %get3A_650 = vector.shape_cast %get3A_649 : vector<1x16xi32> to vector<16xi32>
        %add3A_651 = arith.addi %get3A_650, %mul3A_51 : vector<16xi32>
        %swap3A_652 = arith.constant 2 : i32
        %swap3A_653 = arith.index_cast %swap3A_652 : i32 to index
        %swap3A_654 = arith.constant 64 : index
        %swap3A_655 = tpu.vector_load %arg5[%swap3A_653, %swap3A_654] {strides = array<i32>} : memref<4x104xi32, #tpu.memory_space<vmem>>, vector<1x16xi32>,
        %swap3A_656 = vector.shape_cast %swap3A_655 : vector<1x16xi32> to vector<16xi32>
        %swap3A_657 = vector.shape_cast %add3A_651 : vector<16xi32> to vector<1x16xi32>
        tpu.vector_store %arg5[%swap3A_653, %swap3A_654], %swap3A_657 {strides = array<i32>} : memref<4x104xi32, #tpu.memory_space<vmem>>, vector<1x16xi32>,
        %get3A_658 = arith.constant 2 : i32
        %get3A_659 = arith.index_cast %get3A_658 : i32 to index
        %get3A_660 = arith.constant 80 : index
        %get3A_661 = tpu.vector_load %arg5[%get3A_659, %get3A_660] {strides = array<i32>} : memref<4x104xi32, #tpu.memory_space<vmem>>, vector<1x16xi32>,
        %get3A_662 = vector.shape_cast %get3A_661 : vector<1x16xi32> to vector<16xi32>
        %add3A_663 = arith.addi %get3A_662, %mul3A_60 : vector<16xi32>
        %swap3A_664 = arith.constant 2 : i32
        %swap3A_665 = arith.index_cast %swap3A_664 : i32 to index
        %swap3A_666 = arith.constant 80 : index
        %swap3A_667 = tpu.vector_load %arg5[%swap3A_665, %swap3A_666] {strides = array<i32>} : memref<4x104xi32, #tpu.memory_space<vmem>>, vector<1x16xi32>,
        %swap3A_668 = vector.shape_cast %swap3A_667 : vector<1x16xi32> to vector<16xi32>
        %swap3A_669 = vector.shape_cast %add3A_663 : vector<16xi32> to vector<1x16xi32>
        tpu.vector_store %arg5[%swap3A_665, %swap3A_666], %swap3A_669 {strides = array<i32>} : memref<4x104xi32, #tpu.memory_space<vmem>>, vector<1x16xi32>,
        %get3A_670 = arith.constant 2 : i32
        %get3A_671 = arith.index_cast %get3A_670 : i32 to index
        %get3A_672 = arith.constant 88 : index
        %get3A_673 = tpu.vector_load %arg5[%get3A_671, %get3A_672] {strides = array<i32>} : memref<4x104xi32, #tpu.memory_space<vmem>>, vector<1x16xi32>,
        %get3A_674 = vector.shape_cast %get3A_673 : vector<1x16xi32> to vector<16xi32>
        %add3A_675 = arith.addi %get3A_674, %select_n3A : vector<16xi32>
        %swap3A_676 = arith.constant 2 : i32
        %swap3A_677 = arith.index_cast %swap3A_676 : i32 to index
        %swap3A_678 = arith.constant 88 : index
        %swap3A_679 = tpu.vector_load %arg5[%swap3A_677, %swap3A_678] {strides = array<i32>} : memref<4x104xi32, #tpu.memory_space<vmem>>, vector<1x16xi32>,
        %swap3A_680 = vector.shape_cast %swap3A_679 : vector<1x16xi32> to vector<16xi32>
        %swap3A_681 = vector.shape_cast %add3A_675 : vector<16xi32> to vector<1x16xi32>
        tpu.vector_store %arg5[%swap3A_677, %swap3A_678], %swap3A_681 {strides = array<i32>} : memref<4x104xi32, #tpu.memory_space<vmem>>, vector<1x16xi32>,
        %dma_start3A_682 = arith.constant 2 : i32
        %dma_start3A_683 = arith.constant 0 : i32
        %dma_start3A_684 = tpu.memref_slice %arg5[%dma_start3A_682, %dma_start3A_683] : memref<4x104xi32, #tpu.memory_space<vmem>> -> memref<1x104xi32, #tpu.memory_space<vmem>>
        %dma_start3A_685 = tpu.memref_squeeze %dma_start3A_684 : memref<1x104xi32, #tpu.memory_space<vmem>> -> memref<104xi32, #tpu.memory_space<vmem>>
        %dma_start3A_686 = arith.constant 0 : i32
        %dma_start3A_687 = arith.constant 0 : i32
        %dma_start3A_688 = tpu.memref_slice %arg6[%dma_start3A_686, %dma_start3A_687] : memref<26000x64xf32, #tpu.memory_space<vmem_shared>> -> memref<26000x64xf32, #tpu.memory_space<vmem_shared>>
        tpu.enqueue_indirect_dma source(%dma_start3A_688 : memref<26000x64xf32, #tpu.memory_space<vmem_shared>>) target(%arg9 : memref<104x64xf32, #tpu.memory_space<vmem>>) offsets(%dma_start3A_685 : memref<104xi32, #tpu.memory_space<vmem>>) semaphore(%arg13 : memref<!tpu.dma_semaphore, #tpu.memory_space<semaphore_mem>>)
      } else {
      }
      %scan3A_581 = arith.constant 0 : i32
      scf.yield %scan3A_581 : i32
    }
    %scan3A_428 = arith.constant 40 : i32
    %add3A_429 = arith.constant 16224 : i32
    %add3A_430 = arith.addi %mul3A_2, %add3A_429 : i32
    %dma_wait3A_431 = arith.constant 0 : i32
    %dma_wait3A_432 = tpu.memref_slice %arg4[%add3A_430, %dma_wait3A_431] : memref<532480x64xf32, #tpu.memory_space<hbm>> -> memref<104x64xf32, #tpu.memory_space<hbm>>
    %dma_wait3A_433 = arith.constant 0 : i32
    %dma_wait3A_434 = tpu.memref_slice %arg4[%add3A_430, %dma_wait3A_433] : memref<532480x64xf32, #tpu.memory_space<hbm>> -> memref<104x64xf32, #tpu.memory_space<hbm>>
    tpu.wait_dma2 semaphore(%arg15 : memref<!tpu.dma_semaphore, #tpu.memory_space<semaphore_mem>>) src(%arg7 : memref<104x64xf32, #tpu.memory_space<vmem>>) dst(%dma_wait3A_434 : memref<104x64xf32, #tpu.memory_space<hbm>>)
    %add3A_435 = arith.constant 16328 : i32
    %add3A_436 = arith.addi %mul3A_2, %add3A_435 : i32
    %dma_wait3A_437 = arith.constant 0 : i32
    %dma_wait3A_438 = tpu.memref_slice %arg4[%add3A_436, %dma_wait3A_437] : memref<532480x64xf32, #tpu.memory_space<hbm>> -> memref<104x64xf32, #tpu.memory_space<hbm>>
    %dma_wait3A_439 = arith.constant 0 : i32
    %dma_wait3A_440 = tpu.memref_slice %arg4[%add3A_436, %dma_wait3A_439] : memref<532480x64xf32, #tpu.memory_space<hbm>> -> memref<104x64xf32, #tpu.memory_space<hbm>>
    tpu.wait_dma2 semaphore(%arg16 : memref<!tpu.dma_semaphore, #tpu.memory_space<semaphore_mem>>) src(%arg8 : memref<104x64xf32, #tpu.memory_space<vmem>>) dst(%dma_wait3A_440 : memref<104x64xf32, #tpu.memory_space<hbm>>)
    %add3A_441 = arith.constant 16432 : i32
    %add3A_442 = arith.addi %mul3A_2, %add3A_441 : i32
    %dma_wait3A_443 = arith.constant 0 : i32
    %dma_wait3A_444 = tpu.memref_slice %arg4[%add3A_442, %dma_wait3A_443] : memref<532480x64xf32, #tpu.memory_space<hbm>> -> memref<104x64xf32, #tpu.memory_space<hbm>>
    %dma_wait3A_445 = arith.constant 0 : i32
    %dma_wait3A_446 = tpu.memref_slice %arg4[%add3A_442, %dma_wait3A_445] : memref<532480x64xf32, #tpu.memory_space<hbm>> -> memref<104x64xf32, #tpu.memory_space<hbm>>
    tpu.wait_dma2 semaphore(%arg17 : memref<!tpu.dma_semaphore, #tpu.memory_space<semaphore_mem>>) src(%arg9 : memref<104x64xf32, #tpu.memory_space<vmem>>) dst(%dma_wait3A_446 : memref<104x64xf32, #tpu.memory_space<hbm>>)
    %add3A_447 = arith.constant 16536 : i32
    %add3A_448 = arith.addi %mul3A_2, %add3A_447 : i32
    %dma_wait3A_449 = arith.constant 0 : i32
    %dma_wait3A_450 = tpu.memref_slice %arg4[%add3A_448, %dma_wait3A_449] : memref<532480x64xf32, #tpu.memory_space<hbm>> -> memref<104x64xf32, #tpu.memory_space<hbm>>
    %dma_wait3A_451 = arith.constant 0 : i32
    %dma_wait3A_452 = tpu.memref_slice %arg4[%add3A_448, %dma_wait3A_451] : memref<532480x64xf32, #tpu.memory_space<hbm>> -> memref<104x64xf32, #tpu.memory_space<hbm>>
    tpu.wait_dma2 semaphore(%arg18 : memref<!tpu.dma_semaphore, #tpu.memory_space<semaphore_mem>>) src(%arg10 : memref<104x64xf32, #tpu.memory_space<vmem>>) dst(%dma_wait3A_452 : memref<104x64xf32, #tpu.memory_space<hbm>>)
    return
  }
}

</mosaic_0001>

<sc_bundles>
// kernel: kernel.3.cloned.1.call-start
scs
__scs_entry_jumppad:
0x0: {  	(pc) =	sbr.rel $0x88, $3  }
0x1: {  	(tag) =	ssettag $0x0;
	lr =	simm.s32 $0x1  }
0x2: {  	[smem:$0x3F9F] =	sst lr;
	_ =	strace $0xD0000000  }
0x3: {  	_ = 	snop  }
0x4: {  	_ = 	snop  }
0x5: {  	_ = 	snop  }
0x6: {  	_ = 	snop  }
0x7: {  	_ = 	snop  }
__scs_overlays_trampoline_lowered:
0x8: {  	[smem:$0x3FAE] =	sst s0  }
0x9: {  	[smem:$0x3FAF] =	sst s1  }
0xa: {  	[smem:$0x3FB0] =	sst s2  }
0xb: {  	[smem:$0x3FB1] =	sst s3  }
0xc: {  	[smem:$0x3FB2] =	sst s4  }
0xd: {  	[smem:$0x3FB3] =	sst s5  }
0xe: {  	[smem:$0x3FB4] =	sst s6  }
0xf: {  	[smem:$0x3FB5] =	sst s7  }
0x10: {  	[smem:$0x3FB6] =	sst s8  }
0x11: {  	[smem:$0x3FB7] =	sst s9;
	s0 =	simm.s32 @!p0 $0x0  }
0x12: {  	s1 =	sld [smem:$0x3F9D];
	s0 =	simm.s32 @p0 $0x1  }
0x13: {  	[smem:$0x3FB8] =	sst s0;
	s0 =	simm.s32 @!p1 $0x0  }
0x14: {  	s2 =	sld [smem:$0x3F9C];
	s0 =	simm.s32 @p1 $0x1  }
0x15: {  	[smem:$0x3FB9] =	sst s0;
	s0 =	simm.s32 @!p2 $0x0  }
0x16: {  	s3 =	sld [smem:$0x3FDB];
	s0 =	simm.s32 @p2 $0x1  }
0x17: {  	s4 =	simm.s32 $0x1BF5;
	[smem:$0x3FBB] =	sst s0  }
0x18: {  	s0 =	sld [smem:$0x3F9E];
	_ =	swait.ge [sflag:s4], $0x0  }
0x19: {  	s7 =	sld [smem:$0x3F9F]  }
0x1a: {  	s8 =	sadd.s32 $0xFFFFE003, lr  }
0x1b: {  	s9 =	sadd.s32 $0xFFFFFEF7, lr;
	s5 =	simm.s32 $0xFFFFFFFF;
	p2 =	slt.u32 s8, $0xFFFFF086  }
0x1c: {  	p1 =	slt.u32 s9, $0xF7A;
	s5 =	simm.s32 @!p2 $0x0  }
0x1d: {  	s5 =	simm.s32 @p1 $0x1;
	p0 =	seq.s32 s7, s2  }
0x1e: {  	s7 =	smul.u32 @!p0 $0xF7A, s2;
	p2 =	seq.s32 @!p0 s5, $0x0  }
0x1f: {  	s9 =	smul.u32 $0xF7A, s1;
	s8 =	simm.s32 @!p0 $0x1BF5;
	p2 =	por !p2, p0  }
0x20: {  	[sflag:s8] =	ssyncset.s32 @!p0 $0xFFFFF086;
	s6 =	sadd.s32 @!p0 s3, s7;
	s7 =	simm.s32 @!p0 $0x108  }
0x21: {  	s3 =	sadd.s32 s3, s9;
	s6 =	sadd.s32 @!p0 $0x88, s6;
	s7 =	simm.s32 @p2 $0x1082  }
0x22: {  	[simem:s7], [sflag:s8] =	dma.local @!p0 [hbm:s6], $0xF7A  }
0x23: {  	s9 =	sor.u32 $0xD0000000, s2;
	s6 =	simm.s32 $0x108;
	_ =	swait.ge @!p0 [sflag:s8], $0x0  }
0x24: {  	s3 =	sadd.s32 $0x88, s3;
	s6 =	simm.s32 @!p1 $0x1082;
	[sflag:s4] =	ssyncset.s32 $0xFFFFF086  }
0x25: {  	[simem:s6], [sflag:s4] =	dma.local [hbm:s3], $0xF7A  }
0x26: {  	[smem:$0x3F9F] =	sst s1;
	(tag) =	ssettag s2;
	_ =	strace s9  }
0x27: {  	s1 =	sld [smem:$0x3FAF]  }
0x28: {  	s2 =	sld [smem:$0x3FB0]  }
0x29: {  	s4 =	sld [smem:$0x3FB2]  }
0x2a: {  	p0 =	seq.s32 s5, $0x0;
	s5 =	sld [smem:$0x3FB3]  }
0x2b: {  	s6 =	sld [smem:$0x3FB4]  }
0x2c: {  	s7 =	sld [smem:$0x3FB5]  }
0x2d: {  	s3 =	simm.s32 $0x108;
	s8 =	sld [smem:$0x3FB6]  }
0x2e: {  	s3 =	simm.s32 @!p0 $0x1082;
	s9 =	sld [smem:$0x3FB7]  }
0x2f: {  	lr =	sadd.s32 s0, s3;
	s0 =	sld [smem:$0x3FAE]  }
0x30: {  	s3 =	sld [smem:$0x3FB1]  }
0x31: {  	[smem:$0x3FBA] =	sst s10  }
0x32: {  	s10 =	sld [smem:$0x3FB8];
	_ =	sdelay $0x3  }
0x33: {  	p0 =	seq.s32 s10, $0x1;
	s10 =	sld [smem:$0x3FBA];
	_ =	sdelay $0x3  }
0x34: {  	[smem:$0x3FBA] =	sst s10  }
0x35: {  	s10 =	sld [smem:$0x3FB9];
	_ =	sdelay $0x3  }
0x36: {  	p1 =	seq.s32 s10, $0x1;
	s10 =	sld [smem:$0x3FBA];
	_ =	sdelay $0x3  }
0x37: {  	[smem:$0x3FBA] =	sst s10  }
0x38: {  	s10 =	sld [smem:$0x3FBB]  }
0x39: {  	_ = 	snop;
	(pc) =	sbr.ind lr, $3  }
0x3a: {  	_ = 	snop  }
0x3b: {  	_ = 	snop  }
0x3c: {  	p2 =	seq.s32 s10, $0x1;
	s10 =	sld [smem:$0x3FBA]  }
0x3d: {  	_ =	shalt  }
0x3e: {  	_ =	shalt  }
0x3f: {  	_ =	shalt  }
0x40: {  	_ =	shalt  }
0x41: {  	_ =	shalt  }
0x42: {  	_ =	shalt  }
0x43: {  	_ =	shalt  }
0x44: {  	_ =	shalt  }
0x45: {  	_ =	shalt  }
0x46: {  	_ =	shalt  }
0x47: {  	_ =	shalt  }
0x48: {  	_ =	shalt  }
0x49: {  	_ =	shalt  }
0x4a: {  	_ =	shalt  }
0x4b: {  	_ =	shalt  }
0x4c: {  	_ =	shalt  }
0x4d: {  	_ =	shalt  }
0x4e: {  	_ =	shalt  }
0x4f: {  	_ =	shalt  }
0x50: {  	_ =	shalt  }
0x51: {  	_ =	shalt  }
0x52: {  	_ =	shalt  }
0x53: {  	_ =	shalt  }
0x54: {  	_ =	shalt  }
0x55: {  	_ =	shalt  }
0x56: {  	_ =	shalt  }
0x57: {  	_ =	shalt  }
0x58: {  	_ =	shalt  }
0x59: {  	_ =	shalt  }
0x5a: {  	_ =	shalt  }
0x5b: {  	_ =	shalt  }
0x5c: {  	_ =	shalt  }
0x5d: {  	_ =	shalt  }
0x5e: {  	_ =	shalt  }
0x5f: {  	_ =	shalt  }
0x60: {  	_ =	shalt  }
0x61: {  	_ =	shalt  }
0x62: {  	_ =	shalt  }
0x63: {  	_ =	shalt  }
0x64: {  	_ =	shalt  }
0x65: {  	_ =	shalt  }
0x66: {  	_ =	shalt  }
0x67: {  	_ =	shalt  }
0x68: {  	_ =	shalt  }
0x69: {  	_ =	shalt  }
0x6a: {  	_ =	shalt  }
0x6b: {  	_ =	shalt  }
0x6c: {  	_ =	shalt  }
0x6d: {  	_ =	shalt  }
0x6e: {  	_ =	shalt  }
0x6f: {  	_ =	shalt  }
0x70: {  	_ =	shalt  }
0x71: {  	_ =	shalt  }
0x72: {  	_ =	shalt  }
0x73: {  	_ =	shalt  }
0x74: {  	_ =	shalt  }
0x75: {  	_ =	shalt  }
0x76: {  	_ =	shalt  }
0x77: {  	_ =	shalt  }
0x78: {  	_ =	shalt  }
0x79: {  	_ =	shalt  }
0x7a: {  	_ =	shalt  }
0x7b: {  	_ =	shalt  }
0x7c: {  	_ =	shalt  }
0x7d: {  	_ =	shalt  }
0x7e: {  	_ =	shalt  }
0x7f: {  	_ =	shalt  }
0x80: {  	_ =	shalt  }
0x81: {  	_ =	shalt  }
0x82: {  	_ =	shalt  }
0x83: {  	_ =	shalt  }
0x84: {  	_ =	shalt  }
0x85: {  	_ =	shalt  }
0x86: {  	_ =	shalt  }
0x87: {  	_ =	shalt  }
.Lfunc_end0:
.L_simem_size_0:
called_computation.1_lowered:
.L_overlay_start_0:
0x88: {  	s2 =	sld [smem:$0x3FD9]  }
0x89: {  	s3 =	sld [smem:$0x3FFE];
	_ =	sdelay $0x1  }
0x8a: {  	s1 =	srdreg.scid  }
0x8b: {  	s0 =	sand.u32 $0x1, s1  }
0x8c: {  	s17 =	sshll.u32 s0, $0xA;
	s2 =	sadd.s32 s3, s2  }
0x8d: {  	s2 =	sadd.s32 s2, s17  }
0x8e: {  	[smem:$0x3FC6] =	sst s2  }
0x8f: {  	_ = 	snop  }
0x90: {  	s2 =	sld [smem:$0x3FD0];
	(tm) =	ssettm $0x1  }
0x91: {  	s18 =	sld [smem:$0x3FFB];
	_ =	sdelay $0x3  }
0x92: {  	_ =	strace s18  }
0x93: {  	s3 =	sld [smem:$0x3FFC];
	_ =	sdelay $0x3  }
0x94: {  	_ =	strace s3  }
0x95: {  	s3 =	sld [smem:$0x3FFD];
	_ =	sdelay $0x3  }
0x96: {  	_ =	strace s3  }
0x97: {  	_ =	strace $0x8FFFFFFF  }
0x98: {  	s19 =	sld [smem:$0x3FDB];
	_ =	sdelay $0x1  }
0x99: {  	s4 =	simm.s32 $_scs_section_size  }
0x9a: {  	s5 =	simm.s32 $_size__tile_overlayer_lowered;
	s6 =	simm.s32 $_tile_overlayer_lowered  }
0x9b: {  	s22 =	simm.s32 $0x1BFF;
	s21 =	sshll.u32 s6, $0x1;
	s3 =	sadd.s32 s4, s19  }
0x9c: {  	s7 =	simm.s32 $0x0;
	s20 =	sshll.u32 s5, $0x1;
	s5 =	sadd.s32 s21, s3  }
0x9d: {  	[timem:s7], [sflag:s22] =	dma.local [hbm:s5], s20  }
0x9e: {  	_ =	swait.ge [sflag:s22], s20  }
0x9f: {  	s4 =	ssub.s32 $0x0, s20;
	[sflag:s22] =	ssyncset.done $0x0  }
0xa0: {  	[sflag:s22] =	ssyncadd.s32 s4;
	_ =	sdelay $0x1  }
0xa1: {  	s23 =	simm.s32 $0x1B8B  }
0xa2: {  	_ =	swait.ge [sflag:s23], $0x1  }
0xa3: {  	[sflag:s23] =	ssyncset.done $0x0  }
0xa4: {  	s25 =	simm.s32 $0x1B8E;
	s24 =	sld [smem:$0x3FFE];
	[sflag:s23] =	ssyncadd.s32 $0xFFFFFFFF  }
0xa5: {  	s26 =	simm.s32 $execute0_lowered;
	[smem:$0x3FD2] =	sst s25  }
0xa6: {  	s5 =	sshll.u32 s26, $0x1;
	_ =	strace $0x80000046;
	[dreg:$0x1] =	wrdreg $0xFFFFFFFF  }
0xa7: {  	s28 =	simm.s32 $_size_execute0_lowered;
	s3 =	sadd.s32 s3, s5;
	[dreg:$0x0] =	wrdreg $0x0  }
0xa8: {  	s5 =	sshll.u32 s28, $0x1;
	[dreg:$0x2] =	wrdreg s3  }
0xa9: {  	[dreg:$0x3] =	wrdreg s5  }
0xaa: {  	[dreg:$0x4] =	wrdreg $0xC0  }
0xab: {  	_ =	task [dreg:s7], $0x5FFFF  }
0xac: {  	[dreg:$0x1] =	wrdreg $0xFFFFFFFF  }
0xad: {  	[dreg:$0x0] =	wrdreg $0x60  }
0xae: {  	[dreg:$0x2] =	wrdreg s24  }
0xaf: {  	[dreg:$0x3] =	wrdreg s2  }
0xb0: {  	[dreg:$0x4] =	wrdreg $0x1A00  }
0xb1: {  	[dreg:$0x5] =	wrdreg $0x9  }
0xb2: {  	_ =	task.clear_ibuf [dreg:s7], $0x6FFFF;
	_ =	strace $0x90000046  }
0xb3: {  	s29 =	simm.s32 $0x9;
	_ =	strace $0x80000048  }
0xb4: {  	_ =	swait.ge [sflag:s29], $0x1  }
0xb5: {  	[sflag:s29] =	ssyncadd.s32 $0xFFFFFFFF  }
0xb6: {  	_ =	strace $0x90000048  }
0xb7: {  	_ =	sfence  }
0xb8: {  	s30 =	sld [smem:$0x0];
	_ =	sdelay $0x2  }
0xb9: {  	s31 =	sshll.u32 s1, $0xD;
	s1 =	sshrl.u32 s1, $0x2  }
0xba: {  	s3 =	sand.u32 $0x4000, s31;
	s1 =	sadd.s32 s1, s30  }
0xbb: {  	s0 =	sor.u32 s3, s0;
	s1 =	sshll.u32 s1, $0x11  }
0xbc: {  	s0 =	sor.u32 s1, s0  }
0xbd: {  	s0 =	sadd.s32 $0x8F2B, s0  }
0xbe: {  	[sflag:s0] =	ssyncadd.remote.s32 $0x1  }
0xbf: {  	_ =	sfence.sel $0xFFFF  }
0xc0: {  	[dreg:$0x0] =	wrdreg $0xFFFFFFFF;
	(pc) =	sbr.abs _section_cstart, $3  }
0xc1: {  	[dreg:$0x1] =	wrdreg $0xFFFFFFFF  }
0xc2: {  	_ =	task.clear_ibuf [dreg:s7], $0x2FFFF;
	_ =	strace $0x9FFFFFFF  }
0xc3: {  	(tm) =	ssettm $0x7FFFFFFF  }
tec
execute0_lowered:
.L_overlay_start_1:
0x0: {  	(tag) =	ssettag $0x1  }
0x1: {  	s5 =	rddreg [dreg:$0x0]  }
0x2: {  	s0 =	rddreg [dreg:$0x1]  }
0x3: {  	vm11 =	vcmask $0x300;
	v0 =	vimm.s32 $0x1388;
	s1 =	rddreg [dreg:$0x2];
	s3 =	simm.s32 $0x0  }
0x4: {  	vm12 =	vcmask $0x704;
	s11 =	stileid.u32;
	s2 =	srdreg.scid;
	s28 =	simm.s32 $0xA;
	v0 =	vsel vm11, $0x3E80, v0  }
0x5: {  	vm10 =	vcmask $0xB08;
	s30 =	simm.s32 $0xB;
	s31 =	simm.s32 $0x1CBE0;
	[smem:$0x7FF] =	sst s3;
	v0 =	vsel vm12, $0x4268, v0  }
0x6: {  	vm9 =	vcmask $0xF0C;
	s6 =	smul.u32 $0x19640, s11;
	s4 =	sadd.s32 $0x1000, s5;
	s2 =	sand.u32 $0x1, s2;
	v0 =	vsel vm10, $0x4650, v0  }
0x7: {  	vm7 =	vcmask $0x1310;
	s7 =	sshll.u32 s11, $0x1;
	s13 =	sshll.u32 s11, $0x6;
	s10 =	smul.u32 $0x8200, s11;
	v0 =	vsel vm9, $0x4A38, v0  }
0x8: {  	vm5 =	vcmask $0x1714;
	_ =	strace $0x80000047;
	s9 =	ssub.s32 $0x2, s2;
	s15 =	smul.u32 $0x4100, s2;
	v0 =	vsel vm7, $0x4E20, v0  }
0x9: {  	vm6 =	vcmask $0x1B18;
	s7 =	sor.u32 s2, s7;
	s2 =	smul.u32 $0x20800, s2;
	s29 =	smov.u32 s4;
	v0 =	vsel vm5, $0x5208, v0  }
0xa: {  	vm3 =	vcmask $0x1F1C;
	vm0 =	vcmask $0x2320;
	s8 =	sshrl.u32 s6, $0x3;
	s25 =	sshrl.u32 s9, $0x1;
	s7 =	smul.u32 $0x4100, s7;
	v0 =	vsel vm6, $0x55F0, v0  }
0xb: {  	vm1 =	vcmask $0x2724;
	v1 =	vlaneseq.u32;
	s26 =	sadd.s32 s6, s1;
	s6 =	sor.u32 $0x1C0D, s13;
	s8 =	sadd.s32 s8, s5;
	v0 =	vsel vm3, $0x59D8, v0  }
0xc: {  	vm4 =	vcmask $0x2B28;
	vm2 =	vcmask $0x2F2C;
	s9 =	ssub.s32 s9, s25;
	[dreg:$0x6] =	wrdreg s6;
	s19 =	sadd.s32 s15, s10;
	v0 =	vsel vm0, $0x5DC0, v0  }
0xd: {  	v3 =	vimm.s32 $0x2AF8;
	vm8 =	vcmask $0x3330;
	s25 =	smul.u32 $0x41000, s11;
	s26 =	sshrl.u32 s26, $0x3;
	s5 =	simm.s32 $0x1E5E0;
	v0 =	vsel vm1, $0x61A8, v0  }
0xe: {  	vm13 =	vcmask $0x3734;
	s10 =	simm.s32 $0x5;
	s11 =	simm.s32 $0x6;
	s12 =	sadd.s32 $0x11400, s8;
	v2 =	vsel vm4, $0x0, v0;
	v0 =	vmul.u32 $0x3E8, v1  }
0xf: {  	s14 =	sshrl.u32 s7, $0x3;
	s7 =	sadd.s32 $0x138, s7;
	s20 =	smax.u32 s9, $0x1;
	v1 =	vsel vm2, $0x3E8, v2;
	v2 =	vsel vm11, $0x55F0, v3;
	v3 =	vimm.s32 $0x3E8  }
0x10: {  	vm14 =	vcmask $0x3B38;
	s21 =	sadd.s32 $0x2D8, s19;
	s8 =	sshll.u32 s19, $0x3;
	s22 =	sadd.s32 $0x270, s19;
	v2 =	vsel vm12, $0x59D8, v2;
	v3 =	vsel vm11, $0x2EE0, v3  }
0x11: {  	v5 =	vimm.s32 $0x61A8;
	s24 =	sadd.s32 $0x208, s19;
	[dreg:$0xf] =	wrdreg s26;
	s9 =	simm.s32 $0x4;
	v2 =	vsel vm10, $0x5DC0, v2;
	v3 =	vsel vm12, $0x32C8, v3  }
0x12: {  	vm15 =	vcmask $0x1F00;
	[dreg:$0x4] =	wrdreg s12;
	s12 =	sadd.s32 s4, s14;
	s17 =	sshrl.u32 s7, $0x3;
	v2 =	vsel vm9, $0x61A8, v2;
	v3 =	vsel vm10, $0x36B0, v3  }
0x13: {  	v5 =	vsel vm15, $0x0, v5;
	[dreg:$0xa] =	wrdreg s20;
	s7 =	sshrl.u32 s21, $0x3;
	s8 =	sadd.s32 s8, s0;
	v2 =	vsel vm7, $0x0, v2;
	v3 =	vsel vm9, $0x3A98, v3  }
0x14: {  	v5 =	vsel vm0, $0x4650, v5;
	s23 =	sshrl.u32 s22, $0x3;
	s0 =	sadd.s32 s25, s0;
	s21 =	simm.s32 $0x68;
	v2 =	vsel vm5, $0x3E8, v2;
	v3 =	vsel vm7, $0x3E80, v3  }
0x15: {  	v5 =	vsel vm1, $0x4A38, v5;
	s25 =	simm.s32 $0x9;
	s16 =	sadd.s32 $0xD, s12;
	[dreg:$0x5] =	wrdreg s12;
	v4 =	vsel vm6, $0x7D0, v2;
	v3 =	vsel vm5, $0x4268, v3  }
0x16: {  	v5 =	vsel vm4, $0x4E20, v5;
	s18 =	sadd.s32 $0x1A, s12;
	s6 =	sadd.s32 s4, s17;
	[dreg:$0x7] =	wrdreg s16;
	v4 =	vsel vm3, $0xBB8, v4;
	v3 =	vsel vm6, $0x4650, v3  }
0x17: {  	v5 =	vsel vm2, $0x5208, v5;
	s7 =	sadd.s32 s7, s4;
	s13 =	sadd.s32 $0x9C0, s8;
	[dreg:$0x8] =	wrdreg s18;
	v4 =	vsel vm0, $0xFA0, v4;
	v3 =	vsel vm3, $0x4A38, v3  }
0x18: {  	v5 =	vsel vm8, $0x55F0, v5;
	s15 =	sadd.s32 $0x680, s8;
	s17 =	sadd.s32 $0x340, s8;
	[dreg:$0x9] =	wrdreg s6;
	v4 =	vsel vm1, $0x1388, v4;
	v3 =	vsel vm0, $0x4E20, v3  }
0x19: {  	s8 =	simm.s32 $0x3;
	s12 =	simm.s32 $0x8;
	[dreg:$0xb] =	wrdreg s7;
	v1 =	vsel vm8, $0x7D0, v1;
	v4 =	vsel vm4, $0x1770, v4;
	v3 =	vsel vm1, $0x5208, v3  }
.Ltmp0:
0x1a: {  	s7 =	sadd.s32 s23, s4;
	s6 =	sadd.s32 $0x1A0, s19;
	v1 =	vsel vm13, $0xBB8, v1;
	v4 =	vsel vm2, $0x1B58, v4;
	v3 =	vsel vm4, $0x55F0, v3;
	(pc) =	sbr.rel .LBB2_1-.Ltmp0, $4  }
0x1b: {  	s19 =	sadd.s32 s2, s0;
	s23 =	simm.s32 $0x138;
	s0 =	simm.s32 $0x1;
	v1 =	vsel vm14, $0xFA0, v1;
	v4 =	vsel vm8, $0x1F40, v4;
	v3 =	vsel vm2, $0x59D8, v3  }
0x1c: {  	s2 =	simm.s32 $0xC;
	[dreg:$0xc] =	wrdreg s7;
	s7 =	sshrl.u32 s24, $0x3;
	v2 =	vadd.s32 $0x1770, v0;
	v4 =	vsel vm13, $0x2328, v4;
	v6 =	vsel vm8, $0x5DC0, v3  }
0x1d: {  	[dreg:$0xe] =	wrdreg s6;
	s6 =	simm.s32 $0x7;
	s7 =	sadd.s32 s7, s4;
	v3 =	vsel vm14, $0x2710, v4;
	v4 =	vsel vm13, $0x61A8, v6;
	v6 =	vsel vm13, $0x59D8, v5  }
0x1e: {  	s4 =	simm.s32 $0x0;
	[dreg:$0xd] =	wrdreg s7;
	s7 =	simm.s32 $0x2;
	v5 =	vadd.s32 $0x7D0, v0;
	v4 =	vsel vm14, $0x0, v4;
	v6 =	vsel vm14, $0x5DC0, v6  }
.LBB2_4:
0x1f: {  	_ =	swait.ge [sflag:s10], $0x1A00  }
0x20: {  	[sflag:s10] =	ssyncset.done $0x0  }
0x21: {  	[sflag:s10] =	ssyncadd.s32 $0xFFFFE600  }
0x22: {  	_ =	swait.ge [sflag:s11], $0x1A00  }
0x23: {  	[sflag:s11] =	ssyncset.done $0x0  }
0x24: {  	[sflag:s11] =	ssyncadd.s32 $0xFFFFE600  }
0x25: {  	_ =	swait.ge [sflag:s6], $0x1A00  }
0x26: {  	[sflag:s6] =	ssyncset.done $0x0  }
0x27: {  	[sflag:s6] =	ssyncadd.s32 $0xFFFFE600  }
0x28: {  	_ =	swait.ge [sflag:s12], $0x1A00  }
0x29: {  	s4 =	rddreg [dreg:$0x10]  }
0x2a: {  	s14 =	rddreg [dreg:$0xa];
	s4 =	sadd.s32 $0x1, s4  }
0x2b: {  	p0 =	sne.s32 s4, s14  }
.Ltmp1:
0x2c: {  	_ = 	snop;
	(pc) =	sbr.rel @!p0 .LBB2_5-.Ltmp1, $3  }
0x2d: {  	_ =	sdelay $0x1  }
0x2e: {  	[sflag:s12] =	ssyncset.done $0x0  }
0x2f: {  	[sflag:s12] =	ssyncadd.s32 $0xFFFFE600  }
.LBB2_1:
0x30: {  	[dreg:$0x10] =	wrdreg s4  }
0x31: {  	s14 =	rddreg [dreg:$0x4]  }
0x32: {  	s16 =	rddreg [dreg:$0x6]  }
0x33: {  	s18 =	rddreg [dreg:$0xf]  }
0x34: {  	[spmem:s18], [sflag:s16] =	dma.local [hbm:s14], $0x32C8  }
0x35: {  	s14 =	rddreg [dreg:$0x5]  }
0x36: {  	[tilespmem:s3], [sflag:$0x9] =	stream.linear.gather [hbm4b:s14+s3], $0x68, $0x38;
	v63 =	vld [tilespmem:$0x0]  }
0x37: {  	s4 =	rddreg [dreg:$0x7]  }
0x38: {  	[tilespmem:s21], [sflag:$0xA] =	stream.linear.gather [hbm4b:s4+s3], $0x68, $0x38;
	v63 =	vld [tilespmem:$0x0]  }
0x39: {  	s18 =	simm.s32 $0xD0;
	s16 =	rddreg [dreg:$0x8]  }
0x3a: {  	[tilespmem:s18], [sflag:$0xB] =	stream.linear.gather [hbm4b:s16+s3], $0x68, $0x38;
	v63 =	vld [tilespmem:$0x0]  }
0x3b: {  	s22 =	simm.s32 $0xD;
	s20 =	rddreg [dreg:$0x9]  }
0x3c: {  	[tilespmem:s23], [sflag:$0xC] =	stream.linear.gather [hbm4b:s20+s3], $0x68, $0x38;
	v63 =	vld [tilespmem:$0x0]  }
0x3d: {  	_ =	swait.ge [sflag:s22], $0x32C8  }
0x3e: {  	[sflag:s22] =	ssyncset.done $0x0  }
0x3f: {  	[sflag:s22] =	ssyncadd.s32 $0xFFFFCD38  }
0x40: {  	[bflag:$0x0] =	sbarrier.arrive $0xFFFF  }
0x41: {  	_ =	swait.ge [sflag:s25], $0x68  }
0x42: {  	[sflag:s25] =	ssyncset.done $0x0  }
0x43: {  	[sflag:s25] =	ssyncadd.s32 $0xFFFFFF98  }
0x44: {  	v7 =	vld [tilespmem:$0x50];
	_ =	sdelay $0x1  }
0x45: {  	v8 =	vld [tilespmem:$0x0]  }
0x46: {  	v9 =	vld [tilespmem:$0x10]  }
0x47: {  	v10 =	vld [tilespmem:$0x20]  }
0x48: {  	v11 =	vld [tilespmem:$0x30];
	v7 =	vadd.s32 v5, v7  }
0x49: {  	v12 =	vld [tilespmem:$0x40];
	[tilespmem:$0x50] =	vst v7  }
0x4a: {  	v7 =	vadd.s32 v0, v8;
	v8 =	vld [tilespmem:$0x58]  }
0x4b: {  	[tilespmem:$0x0] =	vst v7;
	v7 =	vadd.s32 v1, v9  }
0x4c: {  	[tilespmem:$0x10] =	vst v7;
	v7 =	vadd.s32 v2, v10  }
0x4d: {  	[tilespmem:$0x20] =	vst v7;
	v7 =	vadd.s32 v3, v11  }
0x4e: {  	[tilespmem:$0x30] =	vst v7;
	v7 =	vadd.s32 v4, v12  }
0x4f: {  	[tilespmem:$0x40] =	vst v7;
	v7 =	vadd.s32 v6, v8  }
0x50: {  	s24 =	simm.s32 $0x197E0;
	[tilespmem:$0x58] =	vst v7  }
0x51: {  	[tilespmem:s24], [sflag:$0x1] =	stream.indirect.gather [spmem:s1], $0x40, s3, s21, $0xb8;
	v63 =	vld [tilespmem:$0x0]  }
0x52: {  	_ =	swait.ge [sflag:s28], $0x68  }
0x53: {  	[sflag:s28] =	ssyncset.done $0x0  }
0x54: {  	[sflag:s28] =	ssyncadd.s32 $0xFFFFFF98  }
0x55: {  	v7 =	vld [tilespmem:$0xB8];
	_ =	sdelay $0x1  }
0x56: {  	v8 =	vld [tilespmem:$0x68]  }
0x57: {  	v55 =	vld [tilespmem:$0x78]  }
0x58: {  	v56 =	vld [tilespmem:$0x88]  }
0x59: {  	v57 =	vld [tilespmem:$0x98];
	v7 =	vadd.s32 v5, v7  }
0x5a: {  	v58 =	vld [tilespmem:$0xA8];
	[tilespmem:$0xB8] =	vst v7  }
0x5b: {  	v7 =	vadd.s32 v0, v8;
	v8 =	vld [tilespmem:$0xC0]  }
0x5c: {  	[tilespmem:$0x68] =	vst v7;
	v7 =	vadd.s32 v1, v55  }
0x5d: {  	[tilespmem:$0x78] =	vst v7;
	v7 =	vadd.s32 v2, v56  }
0x5e: {  	[tilespmem:$0x88] =	vst v7;
	v7 =	vadd.s32 v3, v57  }
0x5f: {  	[tilespmem:$0x98] =	vst v7;
	v7 =	vadd.s32 v4, v58  }
0x60: {  	[tilespmem:$0xA8] =	vst v7;
	v7 =	vadd.s32 v6, v8  }
0x61: {  	s26 =	simm.s32 $0x1B1E0;
	[tilespmem:$0xC0] =	vst v7  }
0x62: {  	[tilespmem:s26], [sflag:$0x2] =	stream.indirect.gather [spmem:s1], $0x40, s21, s21, $0xb8;
	v63 =	vld [tilespmem:$0x0]  }
0x63: {  	_ =	swait.ge [sflag:s30], $0x68  }
0x64: {  	[sflag:s30] =	ssyncset.done $0x0  }
0x65: {  	[sflag:s30] =	ssyncadd.s32 $0xFFFFFF98  }
0x66: {  	v7 =	vld [tilespmem:$0x120];
	_ =	sdelay $0x1  }
0x67: {  	v8 =	vld [tilespmem:$0xD0]  }
0x68: {  	v59 =	vld [tilespmem:$0xE0]  }
0x69: {  	v60 =	vld [tilespmem:$0xF0]  }
0x6a: {  	v61 =	vld [tilespmem:$0x100];
	v7 =	vadd.s32 v5, v7  }
0x6b: {  	v62 =	vld [tilespmem:$0x110];
	[tilespmem:$0x120] =	vst v7  }
0x6c: {  	v7 =	vadd.s32 v0, v8;
	v8 =	vld [tilespmem:$0x128]  }
0x6d: {  	[tilespmem:$0xD0] =	vst v7;
	v7 =	vadd.s32 v1, v59  }
0x6e: {  	[tilespmem:$0xE0] =	vst v7;
	v7 =	vadd.s32 v2, v60  }
0x6f: {  	[tilespmem:$0xF0] =	vst v7;
	v7 =	vadd.s32 v3, v61  }
0x70: {  	s20 =	rddreg [dreg:$0xd];
	[tilespmem:$0x100] =	vst v7;
	v7 =	vadd.s32 v4, v62  }
0x71: {  	s16 =	rddreg [dreg:$0xc];
	[tilespmem:$0x110] =	vst v7;
	v7 =	vadd.s32 v6, v8  }
0x72: {  	s24 =	rddreg [dreg:$0xb];
	[tilespmem:$0x128] =	vst v7  }
0x73: {  	[tilespmem:s31], [sflag:$0x3] =	stream.indirect.gather [spmem:s1], $0x40, s18, s21, $0xb8;
	v63 =	vld [tilespmem:$0x0]  }
0x74: {  	s14 =	simm.s32 $0x0;
	s4 =	simm.s32 $0xD0;
	s18 =	rddreg [dreg:$0xe]  }
.LBB2_2:
0x75: {  	_ =	swait.ge [sflag:s0], $0x1A00  }
0x76: {  	s22 =	sadd.s32 s14, s19;
	[sflag:s0] =	ssyncset.done $0x0  }
0x77: {  	s26 =	simm.s32 $0x197E0;
	p0 =	seq.s32 s14, $0x1FB00;
	[sflag:s0] =	ssyncadd.s32 $0xFFFFE600  }
0x78: {  	[hbm4b:s22+s3] =	stream.linear.scatter [tilespmem:s26], [sflag:$0x5], $0x1A00, $0x38;
	v63 =	vld [tilespmem:$0x0]  }
0x79: {  	p1 =	seq.s32 @!p0 s14, $0x0;
	s22 =	sshrl.u32 @!p0 s18, $0x3  }
0x7a: {  	p1 =	por p0, !p1;
	s26 =	simm.s32 @!p0 $0x0;
	s22 =	sadd.s32 @!p0 s29, s22  }
0x7b: {  	[tilespmem:s26], [sflag:$0x9] =	stream.linear.gather @!p0 [hbm4b:s22+s26], $0x68, $0x38;
	v63 =	vld [tilespmem:$0x0]  }
0x7c: {  	_ =	swait.ge @p1 [sflag:s12], $0x1A00  }
0x7d: {  	[sflag:s12] =	ssyncset.done @p1 $0x0  }
0x7e: {  	[sflag:s12] =	ssyncadd.s32 @p1 $0xFFFFE600  }
0x7f: {  	_ =	swait.ge [sflag:s2], $0x68  }
0x80: {  	[sflag:s2] =	ssyncset.done $0x0  }
0x81: {  	[sflag:s2] =	ssyncadd.s32 $0xFFFFFF98  }
0x82: {  	v7 =	vld [tilespmem:$0x188];
	_ =	sdelay $0x1  }
0x83: {  	v8 =	vld [tilespmem:$0x138]  }
0x84: {  	v9 =	vld [tilespmem:$0x148]  }
0x85: {  	v10 =	vld [tilespmem:$0x158]  }
0x86: {  	v11 =	vld [tilespmem:$0x168];
	v7 =	vadd.s32 v5, v7  }
0x87: {  	v12 =	vld [tilespmem:$0x178];
	[tilespmem:$0x188] =	vst v7  }
0x88: {  	v7 =	vadd.s32 v0, v8;
	v8 =	vld [tilespmem:$0x190]  }
0x89: {  	[tilespmem:$0x138] =	vst v7;
	v7 =	vadd.s32 v1, v9  }
0x8a: {  	[tilespmem:$0x148] =	vst v7;
	v7 =	vadd.s32 v2, v10  }
0x8b: {  	[tilespmem:$0x158] =	vst v7;
	v7 =	vadd.s32 v3, v11  }
0x8c: {  	[tilespmem:$0x168] =	vst v7;
	v7 =	vadd.s32 v4, v12  }
0x8d: {  	[tilespmem:$0x178] =	vst v7;
	v7 =	vadd.s32 v6, v8  }
0x8e: {  	[tilespmem:$0x190] =	vst v7  }
0x8f: {  	[tilespmem:s5], [sflag:$0x4] =	stream.indirect.gather [spmem:s1], $0x40, s23, s21, $0xb8;
	v63 =	vld [tilespmem:$0x0]  }
0x90: {  	_ =	swait.ge [sflag:s7], $0x1A00  }
0x91: {  	[sflag:s7] =	ssyncset.done $0x0  }
0x92: {  	s22 =	sadd.s32 s14, s17;
	s26 =	simm.s32 $0x1B1E0;
	[sflag:s7] =	ssyncadd.s32 $0xFFFFE600  }
0x93: {  	[hbm4b:s22+s3] =	stream.linear.scatter [tilespmem:s26], [sflag:$0x6], $0x1A00, $0x38;
	v63 =	vld [tilespmem:$0x0]  }
0x94: {  	_ = 	snop  }
0x95: {  	[tilespmem:s21], [sflag:$0xA] =	stream.linear.gather @!p0 [hbm4b:s20+s3], $0x68, $0x38;
	v63 =	vld [tilespmem:$0x0]  }
0x96: {  	_ =	swait.ge @!p0 [sflag:s10], $0x1A00  }
0x97: {  	[sflag:s10] =	ssyncset.done @!p0 $0x0  }
0x98: {  	[sflag:s10] =	ssyncadd.s32 @!p0 $0xFFFFE600  }
0x99: {  	_ =	swait.ge @!p0 [sflag:s25], $0x68  }
0x9a: {  	[sflag:s25] =	ssyncset.done @!p0 $0x0  }
0x9b: {  	[sflag:s25] =	ssyncadd.s32 @!p0 $0xFFFFFF98  }
0x9c: {  	v7 =	vld @!p0 [tilespmem:$0x50];
	_ =	sdelay $0x1  }
0x9d: {  	v8 =	vld @!p0 [tilespmem:$0x0]  }
0x9e: {  	v9 =	vld @!p0 [tilespmem:$0x10]  }
0x9f: {  	v10 =	vld @!p0 [tilespmem:$0x20]  }
0xa0: {  	v11 =	vld @!p0 [tilespmem:$0x30];
	v7 =	vadd.s32 @!p0 v5, v7  }
0xa1: {  	v12 =	vld @!p0 [tilespmem:$0x40];
	[tilespmem:$0x50] =	vst @!p0 v7  }
0xa2: {  	v7 =	vadd.s32 @!p0 v0, v8;
	v8 =	vld @!p0 [tilespmem:$0x58]  }
0xa3: {  	[tilespmem:$0x0] =	vst @!p0 v7;
	v7 =	vadd.s32 @!p0 v1, v9  }
0xa4: {  	[tilespmem:$0x10] =	vst @!p0 v7;
	v7 =	vadd.s32 @!p0 v2, v10  }
0xa5: {  	[tilespmem:$0x20] =	vst @!p0 v7;
	v7 =	vadd.s32 @!p0 v3, v11  }
0xa6: {  	[tilespmem:$0x30] =	vst @!p0 v7;
	v7 =	vadd.s32 @!p0 v4, v12  }
0xa7: {  	[tilespmem:$0x40] =	vst @!p0 v7;
	v7 =	vadd.s32 @!p0 v6, v8  }
0xa8: {  	s22 =	simm.s32 @!p0 $0x197E0;
	[tilespmem:$0x58] =	vst @!p0 v7  }
0xa9: {  	[tilespmem:s22], [sflag:$0x1] =	stream.indirect.gather @!p0 [spmem:s1], $0x40, s3, s21, $0xb8;
	v63 =	vld [tilespmem:$0x0]  }
0xaa: {  	_ =	swait.ge [sflag:s8], $0x1A00  }
0xab: {  	[sflag:s8] =	ssyncset.done $0x0  }
0xac: {  	s26 =	sadd.s32 s14, s15;
	[sflag:s8] =	ssyncadd.s32 $0xFFFFE600  }
0xad: {  	[hbm4b:s26+s3] =	stream.linear.scatter [tilespmem:s31], [sflag:$0x7], $0x1A00, $0x38;
	v63 =	vld [tilespmem:$0x0]  }
0xae: {  	_ = 	snop  }
0xaf: {  	[tilespmem:s4], [sflag:$0xB] =	stream.linear.gather @!p0 [hbm4b:s16+s3], $0x68, $0x38;
	v63 =	vld [tilespmem:$0x0]  }
0xb0: {  	_ =	swait.ge @!p0 [sflag:s11], $0x1A00  }
0xb1: {  	[sflag:s11] =	ssyncset.done @!p0 $0x0  }
0xb2: {  	[sflag:s11] =	ssyncadd.s32 @!p0 $0xFFFFE600  }
0xb3: {  	_ =	swait.ge @!p0 [sflag:s28], $0x68  }
0xb4: {  	[sflag:s28] =	ssyncset.done @!p0 $0x0  }
0xb5: {  	[sflag:s28] =	ssyncadd.s32 @!p0 $0xFFFFFF98  }
0xb6: {  	v7 =	vld @!p0 [tilespmem:$0xB8];
	_ =	sdelay $0x1  }
0xb7: {  	v8 =	vld @!p0 [tilespmem:$0x68]  }
0xb8: {  	v9 =	vld @!p0 [tilespmem:$0x78]  }
0xb9: {  	v10 =	vld @!p0 [tilespmem:$0x88]  }
0xba: {  	v11 =	vld @!p0 [tilespmem:$0x98];
	v7 =	vadd.s32 @!p0 v5, v7  }
0xbb: {  	v12 =	vld @!p0 [tilespmem:$0xA8];
	[tilespmem:$0xB8] =	vst @!p0 v7  }
0xbc: {  	v7 =	vadd.s32 @!p0 v0, v8;
	v8 =	vld @!p0 [tilespmem:$0xC0]  }
0xbd: {  	[tilespmem:$0x68] =	vst @!p0 v7;
	v7 =	vadd.s32 @!p0 v1, v9  }
0xbe: {  	[tilespmem:$0x78] =	vst @!p0 v7;
	v7 =	vadd.s32 @!p0 v2, v10  }
0xbf: {  	[tilespmem:$0x88] =	vst @!p0 v7;
	v7 =	vadd.s32 @!p0 v3, v11  }
0xc0: {  	[tilespmem:$0x98] =	vst @!p0 v7;
	v7 =	vadd.s32 @!p0 v4, v12  }
0xc1: {  	[tilespmem:$0xA8] =	vst @!p0 v7;
	v7 =	vadd.s32 @!p0 v6, v8  }
0xc2: {  	s22 =	simm.s32 @!p0 $0x1B1E0;
	[tilespmem:$0xC0] =	vst @!p0 v7  }
0xc3: {  	[tilespmem:s22], [sflag:$0x2] =	stream.indirect.gather @!p0 [spmem:s1], $0x40, s21, s21, $0xb8;
	v63 =	vld [tilespmem:$0x0]  }
.Ltmp2:
0xc4: {  	_ = 	snop;
	(pc) =	sbr.rel @p0 .LBB2_4-.Ltmp2, $4  }
0xc5: {  	_ =	swait.ge [sflag:s9], $0x1A00  }
0xc6: {  	[sflag:s9] =	ssyncset.done $0x0  }
0xc7: {  	s26 =	sadd.s32 s14, s13;
	[sflag:s9] =	ssyncadd.s32 $0xFFFFE600  }
0xc8: {  	[hbm4b:s26+s3] =	stream.linear.scatter [tilespmem:s5], [sflag:$0x8], $0x1A00, $0x38;
	v63 =	vld [tilespmem:$0x0]  }
0xc9: {  	[tilespmem:s23], [sflag:$0xC] =	stream.linear.gather [hbm4b:s24+s3], $0x68, $0x38;
	v63 =	vld [tilespmem:$0x0]  }
0xca: {  	_ =	swait.ge [sflag:s6], $0x1A00  }
0xcb: {  	[sflag:s6] =	ssyncset.done $0x0  }
0xcc: {  	[sflag:s6] =	ssyncadd.s32 $0xFFFFE600  }
0xcd: {  	_ =	swait.ge [sflag:s30], $0x68  }
0xce: {  	[sflag:s30] =	ssyncset.done $0x0  }
0xcf: {  	[sflag:s30] =	ssyncadd.s32 $0xFFFFFF98  }
0xd0: {  	v7 =	vld [tilespmem:$0x120];
	_ =	sdelay $0x1  }
0xd1: {  	v8 =	vld [tilespmem:$0xD0]  }
0xd2: {  	v9 =	vld [tilespmem:$0xE0]  }
0xd3: {  	v10 =	vld [tilespmem:$0xF0]  }
0xd4: {  	v11 =	vld [tilespmem:$0x100];
	v7 =	vadd.s32 v5, v7  }
0xd5: {  	v12 =	vld [tilespmem:$0x110];
	[tilespmem:$0x120] =	vst v7  }
0xd6: {  	v7 =	vadd.s32 v0, v8;
	v8 =	vld [tilespmem:$0x128]  }
0xd7: {  	[tilespmem:$0xD0] =	vst v7;
	v7 =	vadd.s32 v1, v9  }
0xd8: {  	[tilespmem:$0xE0] =	vst v7;
	v7 =	vadd.s32 v2, v10  }
.Ltmp3:
0xd9: {  	[tilespmem:$0xF0] =	vst v7;
	v7 =	vadd.s32 v3, v11;
	(pc) =	sbr.rel .LBB2_2-.Ltmp3, $4  }
0xda: {  	[tilespmem:$0x100] =	vst v7;
	v7 =	vadd.s32 v4, v12  }
0xdb: {  	s14 =	sadd.s32 $0xD00, s14;
	s24 =	sadd.s32 $0x34, s24;
	[tilespmem:$0x110] =	vst v7;
	v7 =	vadd.s32 v6, v8  }
0xdc: {  	s16 =	sadd.s32 $0x34, s16;
	s20 =	sadd.s32 $0x34, s20;
	s18 =	sadd.s32 $0x1A0, s18;
	[tilespmem:$0x128] =	vst v7  }
0xdd: {  	[tilespmem:s31], [sflag:$0x3] =	stream.indirect.gather [spmem:s1], $0x40, s4, s21, $0xb8;
	v63 =	vld [tilespmem:$0x0]  }
.LBB2_5:
0xde: {  	_ =	sfence.sel $0x180000  }
0xdf: {  	[bflag:$0x0] =	sbarrier.arrive $0xFFFF  }
0xe0: {  	_ =	strace $0x90000047  }
0xe1: {  	s0 =	stileid.u32;
	[bflag:$0x2] =	sbarrier.arrive $0xFFFF  }
0xe2: {  	p0 =	sne.s32 s0, $0x0;
	s0 =	rddreg [dreg:$0x3]  }
0xe3: {  	s0 =	sadd.s32 @!p0 $0x100000, s0  }
0xe4: {  	[sflag:s0] =	ssyncadd.tile.s32 @!p0 $0x1;
	_ =	shalt  }
.Lfunc_end2:
_tile_overlayer_lowered:
.L_overlay_start_2:
0xe5: {  	(tag) =	ssettag $0x2  }
0xe6: {  	s0 =	rddreg [dreg:$0x0];
	s2 =	stileid.u32  }
0xe7: {  	s1 =	rddreg [dreg:$0x1];
	p0 =	sne.s32 s2, $0x0  }
0xe8: {  	s3 =	rddreg [dreg:$0x2];
	[bflag:$0x3] =	sbarrier.arrive $0xFFFF;
	s2 =	simm.s32 @!p0 $0x1C0E  }
0xe9: {  	[timem:s3], [sflag:s2] =	dma.local @!p0 [hbm:s0], s1  }
0xea: {  	s0 =	simm.s32 @!p0 $0xE  }
0xeb: {  	_ =	swait.ge @!p0 [sflag:s0], s1  }
0xec: {  	s1 =	ssub.s32 @!p0 $0x0, s1;
	[sflag:s0] =	ssyncset.done @!p0 $0x0  }
0xed: {  	[sflag:s0] =	ssyncadd.s32 @!p0 s1  }
0xee: {  	[bflag:$0x3] =	sbarrier.arrive $0xFFFF  }
0xef: {  	_ =	shalt  }

// kernel: sparse-core-data-format-call.cloned.1.call-start
scs
called_computation_lowered:
.L_overlay_start_0:
0x0: {  	s2 =	sld [smem:$0x3FD9]  }
0x1: {  	s3 =	sld [smem:$0x3FFE];
	_ =	sdelay $0x1  }
0x2: {  	s1 =	srdreg.scid  }
0x3: {  	s0 =	sand.u32 $0x1, s1  }
0x4: {  	s18 =	sshll.u32 s0, $0xA;
	s2 =	sadd.s32 s3, s2  }
0x5: {  	s2 =	sadd.s32 s2, s18  }
0x6: {  	[smem:$0x3FC6] =	sst s2  }
0x7: {  	_ = 	snop  }
0x8: {  	s2 =	sld [smem:$0x3FD0];
	(tm) =	ssettm $0x1  }
0x9: {  	s19 =	sld [smem:$0x3FFB];
	_ =	sdelay $0x3  }
0xa: {  	_ =	strace s19  }
0xb: {  	s3 =	sld [smem:$0x3FFC];
	_ =	sdelay $0x3  }
0xc: {  	_ =	strace s3  }
0xd: {  	s3 =	sld [smem:$0x3FFD];
	_ =	sdelay $0x3  }
0xe: {  	_ =	strace s3  }
0xf: {  	_ =	strace $0x8FFFFFFF  }
0x10: {  	s20 =	sld [smem:$0x3FDB];
	_ =	sdelay $0x1  }
0x11: {  	s4 =	simm.s32 $_scs_section_size  }
0x12: {  	s5 =	simm.s32 $_size__tile_overlayer_lowered;
	s6 =	simm.s32 $_tile_overlayer_lowered  }
0x13: {  	s23 =	simm.s32 $0x1BFF;
	s22 =	sshll.u32 s6, $0x1;
	s3 =	sadd.s32 s4, s20  }
0x14: {  	s7 =	simm.s32 $0x0;
	s21 =	sshll.u32 s5, $0x1;
	s5 =	sadd.s32 s22, s3  }
0x15: {  	[timem:s7], [sflag:s23] =	dma.local [hbm:s5], s21  }
0x16: {  	_ =	swait.ge [sflag:s23], s21  }
0x17: {  	s4 =	ssub.s32 $0x0, s21;
	[sflag:s23] =	ssyncset.done $0x0  }
0x18: {  	[sflag:s23] =	ssyncadd.s32 s4;
	_ =	sdelay $0x1  }
0x19: {  	s24 =	simm.s32 $0x1B8B  }
0x1a: {  	_ =	swait.ge [sflag:s24], $0x1  }
0x1b: {  	[sflag:s24] =	ssyncset.done $0x0  }
0x1c: {  	s26 =	simm.s32 $0x1B8E;
	s25 =	sld [smem:$0x3FFE];
	[sflag:s24] =	ssyncadd.s32 $0xFFFFFFFF  }
0x1d: {  	s27 =	simm.s32 $execute0_lowered;
	[smem:$0x3FD2] =	sst s26  }
0x1e: {  	s5 =	sshll.u32 s27, $0x1;
	_ =	strace $0x80000049;
	[dreg:$0x1] =	wrdreg $0xFFFFFFFF  }
0x1f: {  	s28 =	simm.s32 $_size_execute0_lowered;
	s3 =	sadd.s32 s3, s5;
	[dreg:$0x0] =	wrdreg $0x0  }
0x20: {  	s5 =	sshll.u32 s28, $0x1;
	[dreg:$0x2] =	wrdreg s3  }
0x21: {  	[dreg:$0x3] =	wrdreg s5  }
0x22: {  	[dreg:$0x4] =	wrdreg $0xC0  }
0x23: {  	_ =	task [dreg:s7], $0x5FFFF  }
0x24: {  	[dreg:$0x1] =	wrdreg $0xFFFFFFFF  }
0x25: {  	[dreg:$0x0] =	wrdreg $0x60  }
0x26: {  	[dreg:$0x2] =	wrdreg s25  }
0x27: {  	[dreg:$0x3] =	wrdreg s2  }
0x28: {  	[dreg:$0x4] =	wrdreg $0x9  }
0x29: {  	_ =	task.clear_ibuf [dreg:s7], $0x5FFFF;
	_ =	strace $0x90000049  }
0x2a: {  	s29 =	simm.s32 $0x9;
	_ =	strace $0x8000004B  }
0x2b: {  	_ =	swait.ge [sflag:s29], $0x1  }
0x2c: {  	[sflag:s29] =	ssyncadd.s32 $0xFFFFFFFF  }
0x2d: {  	_ =	strace $0x9000004B  }
0x2e: {  	_ =	sfence  }
0x2f: {  	s30 =	sld [smem:$0x0];
	_ =	sdelay $0x2  }
0x30: {  	s31 =	sshll.u32 s1, $0xD;
	s1 =	sshrl.u32 s1, $0x2  }
0x31: {  	s3 =	sand.u32 $0x4000, s31;
	s1 =	sadd.s32 s1, s30  }
0x32: {  	s0 =	sor.u32 s3, s0;
	s1 =	sshll.u32 s1, $0x11  }
0x33: {  	s0 =	sor.u32 s1, s0  }
0x34: {  	s0 =	sadd.s32 $0x8F2B, s0  }
0x35: {  	[sflag:s0] =	ssyncadd.remote.s32 $0x1  }
0x36: {  	_ =	sfence.sel $0xFFFF  }
0x37: {  	[dreg:$0x0] =	wrdreg $0xFFFFFFFF;
	(pc) =	sbr.abs _section_cstart, $3  }
0x38: {  	[dreg:$0x1] =	wrdreg $0xFFFFFFFF  }
0x39: {  	_ =	task.clear_ibuf [dreg:s7], $0x2FFFF;
	_ =	strace $0x9FFFFFFF  }
0x3a: {  	(tm) =	ssettm $0x7FFFFFFF  }
0x3b: {  	_ =	shalt  }
tec
execute0_lowered:
.L_overlay_start_1:
0x0: {  	(tag) =	ssettag $0x1  }
0x1: {  	s0 =	stileid.u32;
	s1 =	srdreg.scid  }
0x2: {  	s2 =	sshll.u32 s0, $0x7;
	s3 =	sshll.u32 s0, $0x4;
	s4 =	sshll.u32 s1, $0x8  }
0x3: {  	s7 =	rddreg [dreg:$0x0];
	s1 =	sand.u32 $0x380, s2;
	s29 =	sor.u32 s3, s4  }
0x4: {  	s8 =	simm.s32 $0x2;
	s2 =	sand.u32 $0x180, s29;
	s30 =	ssub.s32 $0x400, s1  }
0x5: {  	s16 =	simm.s32 $0x0;
	s31 =	sand.u32 $0x380, s30;
	s5 =	ssub.s32 $0x680, s2  }
0x6: {  	s4 =	simm.s32 $0x1;
	p0 =	sne.s32 s31, $0x0;
	s6 =	sand.u32 $0x180, s5  }
0x7: {  	s4 =	simm.s32 @!p0 $0x0;
	p0 =	sne.s32 s6, $0x0;
	s6 =	simm.s32 $0x1  }
0x8: {  	s3 =	sshrl.u32 s30, $0xA;
	s5 =	sshrl.u32 s5, $0x9;
	s6 =	simm.s32 @!p0 $0x0  }
0x9: {  	s9 =	simm.s32 $0x3400;
	s3 =	sadd.s32 s4, s3;
	s5 =	sadd.s32 s6, s5  }
0xa: {  	s10 =	simm.s32 $0x0;
	s15 =	simm.s32 $0x0;
	s6 =	smul.u32 s5, s3  }
.Ltmp0:
0xb: {  	s17 =	simm.s32 $0x0;
	s4 =	rddreg [dreg:$0x1];
	(pc) =	sbr.rel .LBB1_1-.Ltmp0, $4  }
0xc: {  	s12 =	simm.s32 $0x0;
	s14 =	simm.s32 $0x0;
	s3 =	rddreg [dreg:$0x2]  }
0xd: {  	_ =	strace $0x8000004A;
	s5 =	simm.s32 $0x1;
	s6 =	smul.u32 $0x14, s6  }
0xe: {  	s7 =	sadd.s32 $0x1000, s7;
	s13 =	smov.u32 s1;
	[sflag:s5] =	ssyncpa.u1 $0x0  }
0xf: {  	s11 =	smov.u32 s2;
	[sflag:s8] =	ssyncpa.u1 $0x0;
	s8 =	sor.u32 $0x1, s6  }
.LBB1_4:
0x10: {  	_ =	sdelay $0x2  }
0x11: {  	s21 =	sshrl.u32 s17, $0x3  }
0x12: {  	[tilespmem:v0+s20+$0xFFFFFFD0 ss:$0x1] =	vst.idx.msk $0xffff, v7;
	s22 =	sshll.u32 s16, $0x3;
	s21 =	smul.u32 $0x3400, s21  }
0x13: {  	v56 =	vld.idx.msk [tilespmem:v1+s19+$0x0 ss:$0x1], $0xffff;
	[tilespmem:v0+s20+$0xFFFFFFE0 ss:$0x1] =	vst.idx.msk $0xffff, v5;
	s27 =	sshll.u32 s17, $0x7;
	s22 =	sand.u32 $0xFFFFFC00, s22  }
0x14: {  	v57 =	vld.idx.msk [tilespmem:v1+s19+$0xFFFFFF90 ss:$0x1], $0xffff;
	[tilespmem:v0+s20+$0xFFFFFFF0 ss:$0x1] =	vst.idx.msk $0xffff, v4;
	s17 =	sand.u32 $0x380, s27;
	s21 =	sadd.s32 s21, s22  }
0x15: {  	v58 =	vld.idx.msk [tilespmem:v1+s19+$0xFFFFFFA0 ss:$0x1], $0xffff;
	[tilespmem:v0+s20+$0x0 ss:$0x1] =	vst.idx.msk $0xffff, v2;
	s28 =	sand.u32 $0x7F, s16;
	s17 =	sor.u32 s17, s21  }
0x16: {  	v59 =	vld.idx.msk [tilespmem:v1+s19+$0xFFFFFFB0 ss:$0x1], $0xffff;
	[tilespmem:v0+s20+$0x10 ss:$0x1] =	vst.idx.msk $0xffff, v3;
	s16 =	sor.u32 s28, s17  }
0x17: {  	v60 =	vld.idx.msk [tilespmem:v1+s19+$0xFFFFFFC0 ss:$0x1], $0xffff;
	[tilespmem:v0+s20+$0x20 ss:$0x1] =	vst.idx.msk $0xffff, v6;
	s29 =	smulhi.u32 $0x4EC4EC4F, s16  }
0x18: {  	v61 =	vld.idx.msk [tilespmem:v1+s19+$0xFFFFFFD0 ss:$0x1], $0xffff;
	[tilespmem:v0+s19+$0x30 ss:$0x1] =	vst.idx.msk $0xffff, v56;
	s17 =	smulhi.u32 $0x4EC4EC4F, s17  }
0x19: {  	v62 =	vld.idx.msk [tilespmem:v1+s19+$0xFFFFFFE0 ss:$0x1], $0xffff;
	[tilespmem:v0+s19+$0xFFFFFFC0 ss:$0x1] =	vst.idx.msk $0xffff, v57;
	s20 =	sshrl.u32 s29, $0x9  }
0x1a: {  	v63 =	vld.idx.msk [tilespmem:v1+s19+$0xFFFFFFF0 ss:$0x1], $0xffff;
	[tilespmem:v0+s19+$0xFFFFFFD0 ss:$0x1] =	vst.idx.msk $0xffff, v58;
	s17 =	sshrl.u32 s17, $0x9;
	s20 =	smul.u32 $0x680, s20  }
0x1b: {  	s15 =	smul.u32 $0x34000, s15;
	[tilespmem:v0+s19+$0xFFFFFFE0 ss:$0x1] =	vst.idx.msk $0xffff, v59;
	s17 =	sand.u32 $0x3FF, s17  }
0x1c: {  	[tilespmem:v0+s19+$0xFFFFFFF0 ss:$0x1] =	vst.idx.msk $0xffff, v60;
	s17 =	smul.u32 $0xD0, s17;
	s16 =	ssub.s32 s16, s20  }
0x1d: {  	s15 =	sadd.s32 s4, s15;
	[tilespmem:v0+s19+$0x0 ss:$0x1] =	vst.idx.msk $0xffff, v61;
	s20 =	sand.u32 $0x7, s16  }
0x1e: {  	[tilespmem:v0+s19+$0x10 ss:$0x1] =	vst.idx.msk $0xffff, v62;
	s15 =	sadd.s32 s17, s15;
	s16 =	sshrl.u32 s16, $0x3;
	s30 =	sshll.u32 s20, $0x12  }
0x1f: {  	[tilespmem:v0+s19+$0x20 ss:$0x1] =	vst.idx.msk $0xffff, v63;
	s15 =	sadd.s32 s16, s15;
	s31 =	sor.u32 $0x400, s30  }
0x20: {  	[hbm4b:s15+s31] =	stream.strided.scatter [tilespmem:s18], [sflag:$0x2], $0x4000, s9, s31, $0x38;
	[tilespmem:$0x10000] =	vst v63  }
.LBB1_5:
0x21: {  	s18 =	sadd.s32 $0x200, s11  }
0x22: {  	s15 =	simm.s32 $0x1;
	p1 =	sgt.s32 s18, $0x67F  }
0x23: {  	s15 =	simm.s32 @!p1 $0x0  }
0x24: {  	s19 =	sadd.s32 s15, s12  }
0x25: {  	s21 =	smov.u32 s13;
	s15 =	sadd.s32 $0x400, s13;
	p2 =	sgt.s32 s19, $0x13  }
0x26: {  	s21 =	smov.u32 @p2 s15  }
0x27: {  	s18 =	smov.u32 @p1 s2;
	p1 =	sgt.s32 s21, $0x3FF  }
0x28: {  	p0 =	slt.u32 s14, $0x2;
	s21 =	smov.u32 @p1 s1;
	p1 =	sne.s32 s14, s8  }
.Ltmp1:
0x29: {  	s20 =	simm.s32 @!p0 $0x2;
	(pc) =	sbr.rel @!p1 .LBB1_6-.Ltmp1, $4  }
0x2a: {  	s16 =	smov.u32 s11;
	s17 =	smov.u32 s13;
	_ =	swait.ge @!p0 [sflag:s20], $0x4000  }
0x2b: {  	s10 =	sadd.s32 $0x4000, s10;
	[sflag:s20] =	ssyncset.done @!p0 $0x0;
	s11 =	smov.u32 s18  }
0x2c: {  	[sflag:s20] =	ssyncadd.s32 @!p0 $0xFFFFC000;
	s19 =	simm.s32 @p2 $0x0;
	s15 =	smov.u32 s12  }
0x2d: {  	s12 =	smov.u32 s19;
	s14 =	sadd.s32 $0x1, s14;
	s13 =	smov.u32 s21  }
.LBB1_1:
0x2e: {  	p0 =	sge.u32 s14, s6  }
0x2f: {  	s18 =	sshrl.u32 @!p0 s12, $0x3  }
0x30: {  	s19 =	sshll.u32 @!p0 s11, $0x3;
	s18 =	smul.u32 @!p0 $0x3400, s18  }
0x31: {  	s20 =	sshll.u32 @!p0 s12, $0x7;
	s19 =	sand.u32 @!p0 $0xFFFFFC00, s19  }
0x32: {  	s18 =	sadd.s32 @!p0 s18, s19;
	s19 =	sand.u32 @!p0 $0x380, s20  }
0x33: {  	s18 =	sor.u32 @!p0 s19, s18  }
0x34: {  	s19 =	sand.u32 @!p0 $0x7F, s11;
	s20 =	smulhi.u32 @!p0 $0x4EC4EC4F, s18  }
0x35: {  	s18 =	sor.u32 @!p0 s19, s18  }
0x36: {  	s19 =	smulhi.u32 @!p0 $0x4EC4EC4F, s18;
	s20 =	sshrl.u32 @!p0 s20, $0x9  }
0x37: {  	s21 =	smulhi.u32 @!p0 $0xAAAAAAB, s20;
	_ =	sdelay $0x1  }
0x38: {  	s19 =	sshrl.u32 @!p0 s19, $0x9;
	s21 =	smul.u32 @!p0 $0x18, s21  }
0x39: {  	s31 =	sadd.s32 $0xFFFFFFFF, s14;
	s19 =	smul.u32 @!p0 $0x680, s19  }
0x3a: {  	s22 =	sxor.u32 @!p0 $0xFFFFFFFF, s14;
	s20 =	ssub.s32 @!p0 s20, s21;
	s21 =	smul.u32 @!p0 $0x1380, s13  }
0x3b: {  	s22 =	sshll.u32 @!p0 s22, $0xE;
	s18 =	ssub.s32 @!p0 s18, s19;
	s19 =	smul.u32 @!p0 $0xD0, s20  }
0x3c: {  	s20 =	sand.u32 @!p0 $0x4000, s22;
	s22 =	sand.u32 @!p0 $0x7, s18;
	s21 =	sadd.s32 @!p0 s7, s21  }
0x3d: {  	s18 =	sshrl.u32 @!p0 s18, $0x3;
	s19 =	sadd.s32 @!p0 s19, s21;
	s21 =	sshll.u32 @!p0 s22, $0x12  }
0x3e: {  	s18 =	sadd.s32 @!p0 s18, s19;
	s19 =	sor.u32 @!p0 $0x80, s21;
	s21 =	simm.s32 @!p0 $0x9C00  }
0x3f: {  	[tilespmem:s20], [sflag:$0x1] =	stream.strided.gather @!p0 [hbm4b:s18+s19], $0x4000, s21, s19, $0x38;
	[tilespmem:$0x10000] =	vst v63  }
0x40: {  	p0 =	sge.u32 s31, s6  }
.Ltmp2:
0x41: {  	_ = 	snop;
	(pc) =	sbr.rel @p0 .LBB1_5-.Ltmp2, $1  }
0x42: {  	_ =	sdelay $0x3  }
0x43: {  	s18 =	sand.u32 $0x4000, s10  }
0x44: {  	s19 =	sor.u32 $0x70, s18  }
0x45: {  	v1 =	vmov s19;
	_ =	sdelay $0x1  }
0x46: {  	_ =	swait.ge [sflag:s5], $0x4000  }
0x47: {  	[sflag:s5] =	ssyncset.done $0x0  }
0x48: {  	s20 =	simm.s32 $0x0;
	[sflag:s5] =	ssyncadd.s32 $0xFFFFC000  }
0x49: {  	s18 =	sor.u32 $0x8040, s18;
	v6 =	vld.idx.msk [tilespmem:v1+s20+$0x0 ss:$0x1], $0xffff  }
0x4a: {  	v0 =	vmov s18;
	v8 =	vld.idx.msk [tilespmem:v1+s20+$0xFFFFFF90 ss:$0x1], $0xffff  }
0x4b: {  	v7 =	vld.idx.msk [tilespmem:v1+s20+$0xFFFFFFA0 ss:$0x1], $0xffff  }
0x4c: {  	v5 =	vld.idx.msk [tilespmem:v1+s20+$0xFFFFFFB0 ss:$0x1], $0xffff  }
0x4d: {  	v4 =	vld.idx.msk [tilespmem:v1+s20+$0xFFFFFFC0 ss:$0x1], $0xffff  }
0x4e: {  	s31 =	sshll.u32 s14, $0xE;
	v2 =	vld.idx.msk [tilespmem:v1+s20+$0xFFFFFFD0 ss:$0x1], $0xffff  }
0x4f: {  	s18 =	sand.u32 $0x4000, s31;
	v3 =	vld.idx.msk [tilespmem:v1+s20+$0xFFFFFFE0 ss:$0x1], $0xffff;
	[tilespmem:v0+s20+$0x30 ss:$0x1] =	vst.idx.msk $0xffff, v6  }
0x50: {  	s21 =	simm.s32 $0x400;
	s19 =	simm.s32 $0x80;
	s18 =	sor.u32 $0x8000, s18;
	[tilespmem:v0+s20+$0xFFFFFFC0 ss:$0x1] =	vst.idx.msk $0xffff, v8;
	v6 =	vld.idx.msk [tilespmem:v1+s20+$0xFFFFFFF0 ss:$0x1], $0xffff  }
.LBB1_3:
0x51: {  	p0 =	sne.s32 s21, $0xFE00;
	v8 =	vld.idx.msk [tilespmem:v1+s19+$0x0 ss:$0x1], $0xffff;
	[tilespmem:v0+s20+$0xFFFFFFD0 ss:$0x1] =	vst.idx.msk $0xffff, v7  }
0x52: {  	v9 =	vld.idx.msk [tilespmem:v1+s19+$0xFFFFFF90 ss:$0x1], $0xffff;
	[tilespmem:v0+s20+$0xFFFFFFE0 ss:$0x1] =	vst.idx.msk $0xffff, v5  }
0x53: {  	v7 =	vld.idx.msk [tilespmem:v1+s19+$0xFFFFFFA0 ss:$0x1], $0xffff;
	[tilespmem:v0+s20+$0xFFFFFFF0 ss:$0x1] =	vst.idx.msk $0xffff, v4  }
.Ltmp3:
0x54: {  	v5 =	vld.idx.msk [tilespmem:v1+s19+$0xFFFFFFB0 ss:$0x1], $0xffff;
	[tilespmem:v0+s20+$0x0 ss:$0x1] =	vst.idx.msk $0xffff, v2;
	(pc) =	sbr.rel @p0 .LBB1_3-.Ltmp3, $4  }
0x55: {  	v4 =	vld.idx.msk [tilespmem:v1+s19+$0xFFFFFFC0 ss:$0x1], $0xffff;
	[tilespmem:v0+s20+$0x10 ss:$0x1] =	vst.idx.msk $0xffff, v3  }
0x56: {  	v2 =	vld.idx.msk [tilespmem:v1+s19+$0xFFFFFFD0 ss:$0x1], $0xffff;
	[tilespmem:v0+s20+$0x20 ss:$0x1] =	vst.idx.msk $0xffff, v6;
	s20 =	smov.u32 s19  }
0x57: {  	v3 =	vld.idx.msk [tilespmem:v1+s20+$0xFFFFFFE0 ss:$0x1], $0xffff;
	[tilespmem:v0+s20+$0x30 ss:$0x1] =	vst.idx.msk $0xffff, v8  }
0x58: {  	s19 =	sshra.s32 s21, $0x2;
	s21 =	sadd.s32 $0x200, s21;
	[tilespmem:v0+s20+$0xFFFFFFC0 ss:$0x1] =	vst.idx.msk $0xffff, v9;
	v6 =	vld.idx.msk [tilespmem:v1+s20+$0xFFFFFFF0 ss:$0x1], $0xffff  }
.Ltmp4:
0x59: {  	_ = 	snop;
	(pc) =	sbr.rel .LBB1_4-.Ltmp4, $1  }
0x5a: {  	_ =	sdelay $0x3  }
.LBB1_6:
0x5b: {  	_ =	sfence.sel $0x180000  }
0x5c: {  	s1 =	simm.s32 $0x1;
	[bflag:$0x0] =	sbarrier.arrive $0xFFFF  }
0x5d: {  	s31 =	simm.s32 $0x2;
	[sflag:s1] =	ssyncpa.u1 $0x1  }
0x5e: {  	[sflag:s31] =	ssyncpa.u1 $0x1  }
0x5f: {  	p0 =	sne.s32 s0, $0x0;
	_ =	strace $0x9000004A  }
0x60: {  	s0 =	sadd.s32 @!p0 $0x100000, s3;
	[bflag:$0x2] =	sbarrier.arrive $0xFFFF  }
0x61: {  	[sflag:s0] =	ssyncadd.tile.s32 @!p0 $0x1;
	_ =	shalt  }
.Lfunc_end1:
_tile_overlayer_lowered:
.L_overlay_start_2:
0x62: {  	(tag) =	ssettag $0x2  }
0x63: {  	s0 =	rddreg [dreg:$0x0];
	s2 =	stileid.u32  }
0x64: {  	s1 =	rddreg [dreg:$0x1];
	p0 =	sne.s32 s2, $0x0  }
0x65: {  	s3 =	rddreg [dreg:$0x2];
	[bflag:$0x3] =	sbarrier.arrive $0xFFFF;
	s2 =	simm.s32 @!p0 $0x1C01  }
0x66: {  	[timem:s3], [sflag:s2] =	dma.local @!p0 [hbm:s0], s1  }
0x67: {  	s0 =	simm.s32 @!p0 $0x1  }
0x68: {  	_ =	swait.ge @!p0 [sflag:s0], s1  }
0x69: {  	s1 =	ssub.s32 @!p0 $0x0, s1;
	[sflag:s0] =	ssyncset.done @!p0 $0x0  }
0x6a: {  	[sflag:s0] =	ssyncadd.s32 @!p0 s1  }
0x6b: {  	[bflag:$0x3] =	sbarrier.arrive $0xFFFF  }
0x6c: {  	_ =	shalt  }

</sc_bundles>
